<compile_context>
chip_gen: v7x
topology: tpu7x:2x2x1
jax: 0.10.2.dev20260603
libtpu: 0.0.44.dev20260713+nightly
codegen_flags: <defaults>
</compile_context>

<pallas_src>
import functools

import jax
import jax.numpy as jnp
from jax import lax
from jax.experimental import pallas as pl
from jax.experimental.pallas import tpu as pltpu
from jax.experimental.pallas import tpu_sc as plsc

B = 256
T = 50
H = 64
EMB = 32
K = 20
SIZE = 100000
CHUNK = 1024
NCHUNK = (SIZE + CHUNK - 1) // CHUNK
PAD_SIZE = NCHUNK * CHUNK
NEG = -3.0e38


def _gru_body(x_ref, wih0_ref, whh0_ref, wih1_ref, whh1_ref, b0_ref, b1_ref,
              out_ref):
    wih0 = wih0_ref[...]
    whh0 = whh0_ref[...]
    wih1 = wih1_ref[...]
    whh1 = whh1_ref[...]
    b_ih0 = b0_ref[0:1, :]
    b_hh0 = b0_ref[1:2, :]
    b_ih1 = b1_ref[0:1, :]
    b_hh1 = b1_ref[1:2, :]

    def gru_cell(gx, h, whh, b_hh):
        gh = jnp.dot(h, whh, preferred_element_type=jnp.float32) + b_hh
        def gates(side):
            o = 3 * H * side
            r = jax.nn.sigmoid(gx[:, o:o + H] + gh[:, o:o + H])
            z = jax.nn.sigmoid(gx[:, o + H:o + 2 * H] + gh[:, o + H:o + 2 * H])
            n = jnp.tanh(gx[:, o + 2 * H:o + 3 * H]
                         + r * gh[:, o + 2 * H:o + 3 * H])
            hs = h[:, H * side:H * (side + 1)]
            return (1.0 - z) * n + z * hs
        return jnp.concatenate([gates(0), gates(1)], axis=1)

    x = x_ref[...]
    iota_r = jax.lax.broadcasted_iota(jnp.int32, (2 * T, 2), 0)
    iota_c = jax.lax.broadcasted_iota(jnp.int32, (2 * T, 2), 1)

    def step(t, carry):
        h1, h2 = carry
        oh = (iota_r == t + T * iota_c).astype(jnp.float32)
        xt = jnp.dot(x, oh, preferred_element_type=jnp.float32)
        gx0 = jnp.dot(xt, wih0, preferred_element_type=jnp.float32) + b_ih0
        h1 = gru_cell(gx0, h1, whh0, b_hh0)
        gx1 = jnp.dot(h1, wih1, preferred_element_type=jnp.float32) + b_ih1
        h2 = gru_cell(gx1, h2, whh1, b_hh1)
        return (h1, h2)

    h0 = jnp.zeros((B, 2 * H), jnp.float32)
    _, h2 = lax.fori_loop(0, T, step, (h0, h0))
    out_ref[...] = h2


def _run_gru(x2, wih0, whh0, wih1, whh1, b0, b1):
    return pl.pallas_call(
        _gru_body,
        out_shape=jax.ShapeDtypeStruct((B, 2 * H), jnp.float32),
    )(x2, wih0, whh0, wih1, whh1, b0, b1)


def _topk_body(eblk_ref, off_ref, emb_ref, y_ref, vals_ref, ysel_ref, s_ref,
               rv_ref, ry_ref):
    i = pl.program_id(0)


    eb = eblk_ref[...]
    off = off_ref[...]
    e = jnp.zeros((B, EMB), jnp.float32)
    for kq in range(4):
        e = e + jnp.where(off == 32 * kq, eb[:, 32 * kq:32 * (kq + 1)], 0.0)
    emb_c = emb_ref[...]
    na = jnp.sum(e * e, axis=1, keepdims=True)
    nb = jnp.sum(emb_c * emb_c, axis=0, keepdims=True)
    s2 = jnp.dot(e, emb_c, preferred_element_type=jnp.float32)
    d2 = jnp.maximum(na + nb - 2.0 * s2, 0.0)
    col = jax.lax.broadcasted_iota(jnp.int32, (B, CHUNK), 1) + i * CHUNK
    s_ref[...] = jnp.where(col < SIZE, -d2, NEG)
    y_c = y_ref[...]

    iota_c = jax.lax.broadcasted_iota(jnp.int32, (B, CHUNK), 1)
    iota_r = jax.lax.broadcasted_iota(jnp.int32, (B, 128), 1)
    big = jnp.int32(2 ** 30)
    K1 = K + 1

    @pl.when(i == 0)
    def _first_chunk():
        vals = []
        yvs = []
        for _ in range(K1):
            s = s_ref[...]
            m_s = jnp.max(s, axis=1, keepdims=True)
            c_s = jnp.min(jnp.where(s == m_s, iota_c, big), axis=1,
                          keepdims=True)
            hitc = iota_c == c_s
            yvs.append(jnp.sum(jnp.where(hitc, y_c, 0.0), axis=1,
                               keepdims=True))
            s_ref[...] = jnp.where(hitc, NEG, s)
            vals.append(m_s)
        pad_v = jnp.full((B, 128 - K1), NEG, jnp.float32)
        pad_y = jnp.zeros((B, 128 - K1), jnp.float32)
        rv_ref[...] = jnp.concatenate(vals + [pad_v], axis=1)
        ry_ref[...] = jnp.concatenate(yvs + [pad_y], axis=1)

    @pl.when(i > 0)
    def _merge_chunk():
        s0 = s_ref[...]
        theta0 = jnp.min(rv_ref[...][:, :K1], axis=1, keepdims=True)
        cnt = jnp.sum(jnp.where(s0 > theta0, 1, 0), axis=1, keepdims=True)
        trip = jnp.max(cnt)

        def insert(_, carry):
            s = s_ref[...]
            rv = rv_ref[...]
            ry = ry_ref[...]
            rv21 = rv[:, :K1]
            theta = jnp.min(rv21, axis=1, keepdims=True)
            c_min = jnp.min(jnp.where(rv21 == theta,
                                      iota_r[:, :K1], big),
                            axis=1, keepdims=True)
            m_s = jnp.max(s, axis=1, keepdims=True)
            take = m_s > theta
            c_s = jnp.min(jnp.where(s == m_s, iota_c, big), axis=1,
                          keepdims=True)
            yv = jnp.sum(jnp.where(iota_c == c_s, y_c, 0.0), axis=1,
                         keepdims=True)
            hit = (iota_r == c_min) & take
            rv_ref[...] = jnp.where(hit, m_s, rv)
            ry_ref[...] = jnp.where(hit, yv, ry)
            s_ref[...] = jnp.where((iota_c == c_s) & take, NEG, s)
            return carry

        lax.fori_loop(0, trip, insert, 0)

    @pl.when(i == NCHUNK - 1)
    def _emit():
        vals_ref[...] = rv_ref[...][:, :K + 1]
        ysel_ref[...] = ry_ref[...][:, :K + 1]


def _run_topk(e_blk, off4, embT, y_ctx):
    return pl.pallas_call(
        _topk_body,
        grid=(NCHUNK,),
        in_specs=[
            pl.BlockSpec((B, 128), lambda i: (0, 0)),
            pl.BlockSpec((B, 1), lambda i: (0, 0)),
            pl.BlockSpec((EMB, CHUNK), lambda i: (0, i)),
            pl.BlockSpec((B, CHUNK), lambda i: (0, i)),
        ],
        out_specs=[
            pl.BlockSpec((B, K + 1), lambda i: (0, 0)),
            pl.BlockSpec((B, K + 1), lambda i: (0, 0)),
        ],
        out_shape=[
            jax.ShapeDtypeStruct((B, K + 1), jnp.float32),
            jax.ShapeDtypeStruct((B, K + 1), jnp.float32),
        ],
        scratch_shapes=[
            pltpu.VMEM((B, CHUNK), jnp.float32),
            pltpu.VMEM((B, 128), jnp.float32),
            pltpu.VMEM((B, 128), jnp.float32),
        ],
    )(e_blk, off4, embT, y_ctx)


_NW = 32
_BPW = B // _NW
NIDX = 24
_IPW = B * NIDX // _NW


def _sc_mesh():
    return plsc.VectorSubcoreMesh(core_axis_name="c", subcore_axis_name="s")


def _embsel_body(emb1, bidx1, emb2, bidx2, o1, o2, bidx_v, rows_v, sem):
    wid = lax.axis_index("s") * 2 + lax.axis_index("c")
    for emb, bidx, o in ((emb1, bidx1, o1), (emb2, bidx2, o2)):
        pltpu.sync_copy(bidx.at[pl.ds(wid * _BPW, _BPW)], bidx_v)
        pltpu.async_copy(emb.at[bidx_v], rows_v, sem).wait()
        pltpu.sync_copy(rows_v, o.at[pl.ds(wid * _BPW, _BPW)])


def _run_embsel(emb1_128, bidx1, emb2_128, bidx2):
    f = pl.kernel(
        _embsel_body, mesh=_sc_mesh(),
        out_type=[jax.ShapeDtypeStruct((B, 128), jnp.float32),
                  jax.ShapeDtypeStruct((B, 128), jnp.float32)],
        scratch_types=[pltpu.VMEM((_BPW,), jnp.int32),
                       pltpu.VMEM((_BPW, 128), jnp.float32),
                       pltpu.SemaphoreType.DMA],
    )
    return f(emb1_128, bidx1, emb2_128, bidx2)


def _final_body(hh_ref, v1_ref, v2_ref, ys1_ref, ys2_ref,
                wmean_ref, wstd_ref, wout_ref, bout_ref, wmo_ref, wso_ref,
                bs_ref, y_ref, err1_ref, err2_ref, mo_ref):
    temp = hh_ref[...]
    mean_ts = jnp.dot(temp, wmean_ref[...],
                      preferred_element_type=jnp.float32) + bs_ref[0, 0]
    std_ts = jnp.dot(temp, wstd_ref[...],
                     preferred_element_type=jnp.float32) + bs_ref[0, 1]

    iota21 = jax.lax.broadcasted_iota(jnp.int32, (B, K + 1), 1)
    big = jnp.int32(2 ** 30)

    def feats_one(v_ref, ys_ref):
        v = v_ref[...]
        d2 = -v
        w = jnp.exp(-jnp.where(d2 > 0, jnp.sqrt(jnp.where(d2 > 0, d2, 1.0)),
                               0.0))
        vmax = jnp.max(v, axis=1, keepdims=True)
        c_self = jnp.min(jnp.where(v == vmax, iota21, big), axis=1,
                         keepdims=True)
        m = jnp.where(iota21 == c_self, 0.0, 1.0)
        sel = ys_ref[...]
        wsel = w * m
        ws = jnp.sum(wsel, axis=1, keepdims=True)
        wm = jnp.sum(sel * wsel, axis=1, keepdims=True) / ws
        mu = jnp.sum(sel * m, axis=1, keepdims=True) / K
        st = jnp.sqrt(jnp.sum(m * (sel - mu) ** 2, axis=1, keepdims=True)
                      / (K - 1))
        return jnp.concatenate([wm, ws, st], axis=1)

    f1 = feats_one(v1_ref, ys1_ref)
    f2 = feats_one(v2_ref, ys2_ref)
    feats = jnp.concatenate([f1, f2, mean_ts, std_ts], axis=1)
    h = jnp.maximum(jnp.dot(feats, wout_ref[...],
                            preferred_element_type=jnp.float32)
                    + bout_ref[...], 0.0)
    mean_o = jnp.dot(h, wmo_ref[...],
                     preferred_element_type=jnp.float32) + bs_ref[0, 2]
    std_o = jnp.dot(h, wso_ref[...],
                    preferred_element_type=jnp.float32) + bs_ref[0, 3]

    yb = y_ref[...]
    e1 = ((yb - mean_ts) ** 2 / jnp.exp(std_ts)) + std_ts
    e2 = ((yb - mean_o) ** 2 / jnp.exp(std_o)) + std_o
    err1_ref[...] = jnp.sum(e1, axis=0, keepdims=True) / B
    err2_ref[...] = jnp.sum(e2, axis=0, keepdims=True) / B
    mo_ref[...] = mean_o


def _run_final(hh, v1, v2, ys1, ys2, wmean, wstd, wout, bout, wmo,
               wso, bs, y):
    return pl.pallas_call(
        _final_body,
        out_shape=[
            jax.ShapeDtypeStruct((1, 1), jnp.float32),
            jax.ShapeDtypeStruct((1, 1), jnp.float32),
            jax.ShapeDtypeStruct((B, 1), jnp.float32),
        ],
    )(hh, v1, v2, ys1, ys2, wmean, wstd, wout, bout, wmo, wso, bs, y)


def kernel(params, x_left, x_right, y, index1, index2, y1_context, y2_context):
    p = params
    x2 = jnp.concatenate([x_left, x_right], axis=1)

    def _bd(a, b):
        ka, kb = a.shape[0], b.shape[0]
        z1 = jnp.zeros((ka, 3 * H), jnp.float32)
        z2 = jnp.zeros((kb, 3 * H), jnp.float32)
        return jnp.concatenate([jnp.concatenate([a, z1], 1),
                                jnp.concatenate([z2, b], 1)], 0)
    wih0 = _bd(p['W_ih_left0'][:, 0][None, :], p['W_ih_right0'][:, 0][None, :])
    whh0 = _bd(p['W_hh_left0'].T, p['W_hh_right0'].T)
    wih1 = _bd(p['W_ih_left1'].T, p['W_ih_right1'].T)
    whh1 = _bd(p['W_hh_left1'].T, p['W_hh_right1'].T)
    b0 = jnp.stack([jnp.concatenate([p['b_ih_left0'], p['b_ih_right0']]),
                    jnp.concatenate([p['b_hh_left0'], p['b_hh_right0']])])
    b1 = jnp.stack([jnp.concatenate([p['b_ih_left1'], p['b_ih_right1']]),
                    jnp.concatenate([p['b_hh_left1'], p['b_hh_right1']])])
    hh = _run_gru(x2, wih0, whh0, wih1, whh1, b0, b1)

    idx1i = index1.astype(jnp.int32)
    idx2i = index2.astype(jnp.int32)
    eb1, eb2 = _run_embsel(p['emb1'].reshape(-1, 128), idx1i // 4,
                           p['emb2'].reshape(-1, 128), idx2i // 4)
    off1 = ((idx1i % 4) * EMB)[:, None]
    off2 = ((idx2i % 4) * EMB)[:, None]

    v1, ys1 = _run_topk(eb1, off1, p['emb1'].T, y1_context)
    v2, ys2 = _run_topk(eb2, off2, p['emb2'].T, y2_context)

    bs = jnp.stack([p['b_mean'][0], p['b_std'][0],
                    p['b_mo'][0], p['b_so'][0]])[None, :]
    err1, err2, mean_o = _run_final(
        hh, v1, v2, ys1, ys2,
        p['W_mean'].T, p['W_std'].T, p['W_out1'].T, p['b_out1'][None, :],
        p['W_mo'].T, p['W_so'].T, bs, y[:, None])
    return (err1.reshape(()), err2.reshape(()), mean_o)

# --- scband reference (transcript-rebuilt; emitter-appended) ---
"""Pipeline reference for scband-proposal1-model-25391846654128 (READ-ONLY COPY).

The authoritative reference and input builder live on the scoring server;
editing this copy changes nothing except your own understanding.
"""

import jax, jax.numpy as jnp
import numpy as np

SIZE1 = 100000
SIZE2 = 100000
B = 256
T = 50
H = 64
EMB = 32
K = 20
TAU = 1.0


def _init_params(key):
    keys = jax.random.split(key, 64)
    ki = iter(keys)

    def u(shape, fan):
        s = 1.0 / np.sqrt(fan)
        return jax.random.uniform(next(ki), shape, jnp.float32, -s, s)

    p = {}
    p['emb1'] = jax.random.normal(next(ki), (SIZE1, EMB), jnp.float32)
    p['emb2'] = jax.random.normal(next(ki), (SIZE2, EMB), jnp.float32)
    for side in ('left', 'right'):
        for l in range(2):
            in_dim = 1 if l == 0 else H
            p['W_ih_%s%d' % (side, l)] = u((3 * H, in_dim), H)
            p['W_hh_%s%d' % (side, l)] = u((3 * H, H), H)
            p['b_ih_%s%d' % (side, l)] = u((3 * H,), H)
            p['b_hh_%s%d' % (side, l)] = u((3 * H,), H)
    p['W_mean'] = u((1, 2 * H), 2 * H)
    p['b_mean'] = u((1,), 2 * H)
    p['W_std'] = u((1, 2 * H), 2 * H)
    p['b_std'] = u((1,), 2 * H)
    p['W_out1'] = u((64, 8), 8)
    p['b_out1'] = u((64,), 8)
    p['W_mo'] = u((1, 64), 64)
    p['b_mo'] = u((1,), 64)
    p['W_so'] = u((1, 64), 64)
    p['b_so'] = u((1,), 64)
    return p


def setup_inputs(seed: int = 0):
    key = jax.random.key(seed)
    ks = jax.random.split(key, 8)
    return {
        'params': _init_params(ks[0]),
        'x_left': jax.random.normal(ks[1], (B, T), jnp.float32),
        'x_right': jax.random.normal(ks[2], (B, T), jnp.float32),
        'y': jax.random.normal(ks[3], (B,), jnp.float32),
        'index1': jax.random.randint(ks[4], (B,), 0, SIZE1),
        'index2': jax.random.randint(ks[5], (B,), 0, SIZE2),
        'y1_context': jax.random.normal(ks[6], (B, SIZE1), jnp.float32),
        'y2_context': jax.random.normal(ks[7], (B, SIZE2), jnp.float32),
    }


def _gru(x, p, side):
    # x: [T, B, in_dim]; torch nn.GRU with num_layers=2, unidirectional
    out = x
    for l in range(2):
        W_ih = p['W_ih_%s%d' % (side, l)]
        W_hh = p['W_hh_%s%d' % (side, l)]
        b_ih = p['b_ih_%s%d' % (side, l)]
        b_hh = p['b_hh_%s%d' % (side, l)]

        def step(h, xt, W_ih=W_ih, W_hh=W_hh, b_ih=b_ih, b_hh=b_hh):
            gx = xt @ W_ih.T + b_ih
            gh = h @ W_hh.T + b_hh
            r = jax.nn.sigmoid(gx[:, :H] + gh[:, :H])
            z = jax.nn.sigmoid(gx[:, H:2 * H] + gh[:, H:2 * H])
            n = jnp.tanh(gx[:, 2 * H:] + r * gh[:, 2 * H:])
            h2 = (1.0 - z) * n + z * h
            return h2, h2

        h0 = jnp.zeros((out.shape[1], H), jnp.float32)
        _, out = jax.lax.scan(step, h0, out)
    return out  # [T, B, H]


def _cdist(a, b):
    d2 = jnp.sum(a * a, axis=1)[:, None] + jnp.sum(b * b, axis=1)[None, :] - 2.0 * (a @ b.T)
    d2 = jnp.maximum(d2, 0.0)
    return jnp.where(d2 > 0, jnp.sqrt(jnp.where(d2 > 0, d2, 1.0)), 0.0)


def _feats(emb, idx, y_ctx):
    sim = _cdist(emb[idx], emb)                     # [B, size]
    w = jnp.exp(-sim / TAU)
    ind = jnp.argsort(w, axis=1)[:, -(K + 1):-1]    # kNN excluding self (largest weight)
    sel = jnp.take_along_axis(y_ctx, ind, axis=1)   # [B, K]
    wsel = jnp.take_along_axis(w, ind, axis=1)      # [B, K]
    wm = (sel * wsel).sum(axis=1, keepdims=True) / wsel.sum(axis=1, keepdims=True)
    ws = wsel.sum(axis=1, keepdims=True)
    st = jnp.std(sel, axis=1, keepdims=True, ddof=1)  # torch.std unbiased
    return jnp.concatenate([wm, ws, st], axis=1)


def reference(params, x_left, x_right, y, index1, index2, y1_context, y2_context):
    out_l = _gru(jnp.transpose(x_left)[:, :, None], params, 'left')[-1]    # [B, H]
    out_r = _gru(jnp.transpose(x_right)[:, :, None], params, 'right')[-1]  # [B, H]
    temp = jnp.concatenate([out_l, out_r], axis=1)                          # [B, 2H]
    mean_ts = temp @ params['W_mean'].T + params['b_mean']                  # [B, 1]
    std_ts = temp @ params['W_std'].T + params['b_std']                     # [B, 1]
    f1 = _feats(params['emb1'], index1, y1_context)
    f2 = _feats(params['emb2'], index2, y2_context)
    feats = jnp.concatenate([f1, f2, mean_ts, std_ts], axis=1)              # [B, 8]
    h = jnp.maximum(feats @ params['W_out1'].T + params['b_out1'], 0.0)
    mean_o = h @ params['W_mo'].T + params['b_mo']
    std_o = h @ params['W_so'].T + params['b_so']
    err1 = (((y[:, None] - mean_ts) ** 2 / jnp.exp(std_ts)) + std_ts).mean()
    err2 = (((y[:, None] - mean_o) ** 2 / jnp.exp(std_o)) + std_o).mean()
    return (err1, err2, mean_o)

if __name__ == "__main__":
    import jax
    _d = setup_inputs()
    print(jax.jit(kernel)(*tuple(_d.values())))

</pallas_src>

<mosaic_0001>
#map = affine_map<(d0, d1) -> (0, 0)>
#map1 = affine_map<(d0, d1) -> (0)>
module attributes {stable_mosaic.version = 14 : i64} {
  func.func @_embsel_body(%arg0: i32, %arg1: i32, %arg2: memref<25000x128xf32, #tpu.memory_space<hbm>>, %arg3: memref<256xi32, #tpu.memory_space<hbm>>, %arg4: memref<25000x128xf32, #tpu.memory_space<hbm>>, %arg5: memref<256xi32, #tpu.memory_space<hbm>>, %arg6: memref<256x128xf32, #tpu.memory_space<hbm>>, %arg7: memref<256x128xf32, #tpu.memory_space<hbm>>, %arg8: memref<8xi32, #tpu.memory_space<vmem>>, %arg9: memref<8x128xf32, #tpu.memory_space<vmem>>, %arg10: memref<!tpu.dma_semaphore, #tpu.memory_space<semaphore_mem>>) attributes {dimension_semantics = [#tpu.dimension_semantics<core_parallel>, #tpu.dimension_semantics<subcore_parallel>], iteration_bounds = array<i64: 2, 16>, scalar_prefetch = 0 : i64, scratch_operands = 3 : i64, tpu.core_type = #tpu.core_type<sc_vector_subcore>, window_params = [{transform_indices = #map}, {transform_indices = #map1}, {transform_indices = #map}, {transform_indices = #map1}, {transform_indices = #map}, {transform_indices = #map}]} {
    %mul3A = arith.constant 2 : i32
    %mul3A_0 = arith.muli %arg1, %mul3A : i32
    %add3A = arith.addi %mul3A_0, %arg0 : i32
    %mul3A_1 = arith.constant 8 : i32
    %mul3A_2 = arith.muli %add3A, %mul3A_1 : i32
    "tpu.region"() ({
      %run_scoped3A = tpu.sem_alloc : memref<!tpu.dma_semaphore, #tpu.memory_space<semaphore_mem>>
      %dma_start3A_19 = tpu.memref_slice %arg3[%mul3A_2] : memref<256xi32, #tpu.memory_space<hbm>> -> memref<8xi32, #tpu.memory_space<hbm>>
      %dma_start3A_20 = tpu.memref_slice %arg3[%mul3A_2] : memref<256xi32, #tpu.memory_space<hbm>> -> memref<8xi32, #tpu.memory_space<hbm>>
      tpu.enqueue_dma source(%dma_start3A_20 : memref<8xi32, #tpu.memory_space<hbm>>) target(%arg8 : memref<8xi32, #tpu.memory_space<vmem>>) target_semaphore(%run_scoped3A : memref<!tpu.dma_semaphore, #tpu.memory_space<semaphore_mem>>)
      %dma_wait3A_21 = tpu.memref_slice %arg3[%mul3A_2] : memref<256xi32, #tpu.memory_space<hbm>> -> memref<8xi32, #tpu.memory_space<hbm>>
      %dma_wait3A_22 = tpu.memref_slice %arg3[%mul3A_2] : memref<256xi32, #tpu.memory_space<hbm>> -> memref<8xi32, #tpu.memory_space<hbm>>
      tpu.wait_dma2 semaphore(%run_scoped3A : memref<!tpu.dma_semaphore, #tpu.memory_space<semaphore_mem>>) src(%dma_wait3A_22 : memref<8xi32, #tpu.memory_space<hbm>>) dst(%arg8 : memref<8xi32, #tpu.memory_space<vmem>>)
      tpu.yield
    }) : () -> ()
    %dma_start3A = arith.constant 0 : i32
    %dma_start3A_3 = arith.constant 0 : i32
    %dma_start3A_4 = tpu.memref_slice %arg2[%dma_start3A, %dma_start3A_3] : memref<25000x128xf32, #tpu.memory_space<hbm>> -> memref<25000x128xf32, #tpu.memory_space<hbm>>
    tpu.enqueue_indirect_dma source(%dma_start3A_4 : memref<25000x128xf32, #tpu.memory_space<hbm>>) target(%arg9 : memref<8x128xf32, #tpu.memory_space<vmem>>) offsets(%arg8 : memref<8xi32, #tpu.memory_space<vmem>>) semaphore(%arg10 : memref<!tpu.dma_semaphore, #tpu.memory_space<semaphore_mem>>)
    %dma_wait3A = arith.constant 0 : i32
    %dma_wait3A_5 = arith.constant 0 : i32
    %dma_wait3A_6 = tpu.memref_slice %arg2[%dma_wait3A, %dma_wait3A_5] : memref<25000x128xf32, #tpu.memory_space<hbm>> -> memref<25000x128xf32, #tpu.memory_space<hbm>>
    tpu.wait_indirect_dma semaphore(%arg10 : memref<!tpu.dma_semaphore, #tpu.memory_space<semaphore_mem>>) src(%dma_wait3A_6 : memref<25000x128xf32, #tpu.memory_space<hbm>>) dst(%arg9 : memref<8x128xf32, #tpu.memory_space<vmem>>)
    %mul3A_7 = arith.constant 8 : i32
    %mul3A_8 = arith.muli %add3A, %mul3A_7 : i32
    "tpu.region"() ({
      %run_scoped3A = tpu.sem_alloc : memref<!tpu.dma_semaphore, #tpu.memory_space<semaphore_mem>>
      %dma_start3A_19 = arith.constant 0 : i32
      %dma_start3A_20 = tpu.memref_slice %arg6[%mul3A_8, %dma_start3A_19] : memref<256x128xf32, #tpu.memory_space<hbm>> -> memref<8x128xf32, #tpu.memory_space<hbm>>
      %dma_start3A_21 = arith.constant 0 : i32
      %dma_start3A_22 = tpu.memref_slice %arg6[%mul3A_8, %dma_start3A_21] : memref<256x128xf32, #tpu.memory_space<hbm>> -> memref<8x128xf32, #tpu.memory_space<hbm>>
      tpu.enqueue_dma source(%arg9 : memref<8x128xf32, #tpu.memory_space<vmem>>) target(%dma_start3A_22 : memref<8x128xf32, #tpu.memory_space<hbm>>) target_semaphore(%run_scoped3A : memref<!tpu.dma_semaphore, #tpu.memory_space<semaphore_mem>>)
      %dma_wait3A_23 = arith.constant 0 : i32
      %dma_wait3A_24 = tpu.memref_slice %arg6[%mul3A_8, %dma_wait3A_23] : memref<256x128xf32, #tpu.memory_space<hbm>> -> memref<8x128xf32, #tpu.memory_space<hbm>>
      %dma_wait3A_25 = arith.constant 0 : i32
      %dma_wait3A_26 = tpu.memref_slice %arg6[%mul3A_8, %dma_wait3A_25] : memref<256x128xf32, #tpu.memory_space<hbm>> -> memref<8x128xf32, #tpu.memory_space<hbm>>
      tpu.wait_dma2 semaphore(%run_scoped3A : memref<!tpu.dma_semaphore, #tpu.memory_space<semaphore_mem>>) src(%arg9 : memref<8x128xf32, #tpu.memory_space<vmem>>) dst(%dma_wait3A_26 : memref<8x128xf32, #tpu.memory_space<hbm>>)
      tpu.yield
    }) : () -> ()
    %mul3A_9 = arith.constant 8 : i32
    %mul3A_10 = arith.muli %add3A, %mul3A_9 : i32
    "tpu.region"() ({
      %run_scoped3A = tpu.sem_alloc : memref<!tpu.dma_semaphore, #tpu.memory_space<semaphore_mem>>
      %dma_start3A_19 = tpu.memref_slice %arg5[%mul3A_10] : memref<256xi32, #tpu.memory_space<hbm>> -> memref<8xi32, #tpu.memory_space<hbm>>
      %dma_start3A_20 = tpu.memref_slice %arg5[%mul3A_10] : memref<256xi32, #tpu.memory_space<hbm>> -> memref<8xi32, #tpu.memory_space<hbm>>
      tpu.enqueue_dma source(%dma_start3A_20 : memref<8xi32, #tpu.memory_space<hbm>>) target(%arg8 : memref<8xi32, #tpu.memory_space<vmem>>) target_semaphore(%run_scoped3A : memref<!tpu.dma_semaphore, #tpu.memory_space<semaphore_mem>>)
      %dma_wait3A_21 = tpu.memref_slice %arg5[%mul3A_10] : memref<256xi32, #tpu.memory_space<hbm>> -> memref<8xi32, #tpu.memory_space<hbm>>
      %dma_wait3A_22 = tpu.memref_slice %arg5[%mul3A_10] : memref<256xi32, #tpu.memory_space<hbm>> -> memref<8xi32, #tpu.memory_space<hbm>>
      tpu.wait_dma2 semaphore(%run_scoped3A : memref<!tpu.dma_semaphore, #tpu.memory_space<semaphore_mem>>) src(%dma_wait3A_22 : memref<8xi32, #tpu.memory_space<hbm>>) dst(%arg8 : memref<8xi32, #tpu.memory_space<vmem>>)
      tpu.yield
    }) : () -> ()
    %dma_start3A_11 = arith.constant 0 : i32
    %dma_start3A_12 = arith.constant 0 : i32
    %dma_start3A_13 = tpu.memref_slice %arg4[%dma_start3A_11, %dma_start3A_12] : memref<25000x128xf32, #tpu.memory_space<hbm>> -> memref<25000x128xf32, #tpu.memory_space<hbm>>
    tpu.enqueue_indirect_dma source(%dma_start3A_13 : memref<25000x128xf32, #tpu.memory_space<hbm>>) target(%arg9 : memref<8x128xf32, #tpu.memory_space<vmem>>) offsets(%arg8 : memref<8xi32, #tpu.memory_space<vmem>>) semaphore(%arg10 : memref<!tpu.dma_semaphore, #tpu.memory_space<semaphore_mem>>)
    %dma_wait3A_14 = arith.constant 0 : i32
    %dma_wait3A_15 = arith.constant 0 : i32
    %dma_wait3A_16 = tpu.memref_slice %arg4[%dma_wait3A_14, %dma_wait3A_15] : memref<25000x128xf32, #tpu.memory_space<hbm>> -> memref<25000x128xf32, #tpu.memory_space<hbm>>
    tpu.wait_indirect_dma semaphore(%arg10 : memref<!tpu.dma_semaphore, #tpu.memory_space<semaphore_mem>>) src(%dma_wait3A_16 : memref<25000x128xf32, #tpu.memory_space<hbm>>) dst(%arg9 : memref<8x128xf32, #tpu.memory_space<vmem>>)
    %mul3A_17 = arith.constant 8 : i32
    %mul3A_18 = arith.muli %add3A, %mul3A_17 : i32
    "tpu.region"() ({
      %run_scoped3A = tpu.sem_alloc : memref<!tpu.dma_semaphore, #tpu.memory_space<semaphore_mem>>
      %dma_start3A_19 = arith.constant 0 : i32
      %dma_start3A_20 = tpu.memref_slice %arg7[%mul3A_18, %dma_start3A_19] : memref<256x128xf32, #tpu.memory_space<hbm>> -> memref<8x128xf32, #tpu.memory_space<hbm>>
      %dma_start3A_21 = arith.constant 0 : i32
      %dma_start3A_22 = tpu.memref_slice %arg7[%mul3A_18, %dma_start3A_21] : memref<256x128xf32, #tpu.memory_space<hbm>> -> memref<8x128xf32, #tpu.memory_space<hbm>>
      tpu.enqueue_dma source(%arg9 : memref<8x128xf32, #tpu.memory_space<vmem>>) target(%dma_start3A_22 : memref<8x128xf32, #tpu.memory_space<hbm>>) target_semaphore(%run_scoped3A : memref<!tpu.dma_semaphore, #tpu.memory_space<semaphore_mem>>)
      %dma_wait3A_23 = arith.constant 0 : i32
      %dma_wait3A_24 = tpu.memref_slice %arg7[%mul3A_18, %dma_wait3A_23] : memref<256x128xf32, #tpu.memory_space<hbm>> -> memref<8x128xf32, #tpu.memory_space<hbm>>
      %dma_wait3A_25 = arith.constant 0 : i32
      %dma_wait3A_26 = tpu.memref_slice %arg7[%mul3A_18, %dma_wait3A_25] : memref<256x128xf32, #tpu.memory_space<hbm>> -> memref<8x128xf32, #tpu.memory_space<hbm>>
      tpu.wait_dma2 semaphore(%run_scoped3A : memref<!tpu.dma_semaphore, #tpu.memory_space<semaphore_mem>>) src(%arg9 : memref<8x128xf32, #tpu.memory_space<vmem>>) dst(%dma_wait3A_26 : memref<8x128xf32, #tpu.memory_space<hbm>>)
      tpu.yield
    }) : () -> ()
    return
  }
}

module attributes {stable_mosaic.version = 14 : i64} {
  func.func @_gru_body(%arg0: memref<256x100xf32, #tpu.memory_space<vmem>>, %arg1: memref<2x384xf32, #tpu.memory_space<vmem>>, %arg2: memref<128x384xf32, #tpu.memory_space<vmem>>, %arg3: memref<128x384xf32, #tpu.memory_space<vmem>>, %arg4: memref<128x384xf32, #tpu.memory_space<vmem>>, %arg5: memref<2x384xf32, #tpu.memory_space<vmem>>, %arg6: memref<2x384xf32, #tpu.memory_space<vmem>>, %arg7: memref<256x128xf32, #tpu.memory_space<vmem>>) attributes {dimension_semantics = [], scalar_prefetch = 0 : i64, scratch_operands = 0 : i64, tpu.core_type = #tpu.core_type<tc>} {
    %get3A = arith.constant 0 : index
    %get3A_0 = arith.constant 0 : index
    %get3A_1 = vector.load %arg1[%get3A, %get3A_0] : memref<2x384xf32, #tpu.memory_space<vmem>>, vector<2x384xf32>
    %get3A_2 = arith.constant 0 : index
    %get3A_3 = arith.constant 0 : index
    %get3A_4 = vector.load %arg2[%get3A_2, %get3A_3] : memref<128x384xf32, #tpu.memory_space<vmem>>, vector<128x384xf32>
    %get3A_5 = arith.constant 0 : index
    %get3A_6 = arith.constant 0 : index
    %get3A_7 = vector.load %arg3[%get3A_5, %get3A_6] : memref<128x384xf32, #tpu.memory_space<vmem>>, vector<128x384xf32>
    %get3A_8 = arith.constant 0 : index
    %get3A_9 = arith.constant 0 : index
    %get3A_10 = vector.load %arg4[%get3A_8, %get3A_9] : memref<128x384xf32, #tpu.memory_space<vmem>>, vector<128x384xf32>
    %get3A_11 = arith.constant 0 : index
    %get3A_12 = arith.constant 0 : index
    %get3A_13 = vector.load %arg5[%get3A_11, %get3A_12] : memref<2x384xf32, #tpu.memory_space<vmem>>, vector<1x384xf32>
    %get3A_14 = arith.constant 1 : index
    %get3A_15 = arith.constant 0 : index
    %get3A_16 = vector.load %arg5[%get3A_14, %get3A_15] : memref<2x384xf32, #tpu.memory_space<vmem>>, vector<1x384xf32>
    %get3A_17 = arith.constant 0 : index
    %get3A_18 = arith.constant 0 : index
    %get3A_19 = vector.load %arg6[%get3A_17, %get3A_18] : memref<2x384xf32, #tpu.memory_space<vmem>>, vector<1x384xf32>
    %get3A_20 = arith.constant 1 : index
    %get3A_21 = arith.constant 0 : index
    %get3A_22 = vector.load %arg6[%get3A_20, %get3A_21] : memref<2x384xf32, #tpu.memory_space<vmem>>, vector<1x384xf32>
    %get3A_23 = arith.constant 0 : index
    %get3A_24 = arith.constant 0 : index
    %get3A_25 = vector.load %arg0[%get3A_23, %get3A_24] : memref<256x100xf32, #tpu.memory_space<vmem>>, vector<256x100xf32>
    %iota3A = tpu.iota {dimensions = array<i32: 0>} : vector<100x2xi32>
    %iota3A_26 = tpu.iota {dimensions = array<i32: 1>} : vector<100x2xi32>
    %broadcast_in_dim3A = arith.constant 0.000000e+00 : f32
    %broadcast_in_dim3A_27 = vector.broadcast %broadcast_in_dim3A : f32 to vector<256x128xf32>
    %scan3A = arith.constant 0 : i32
    %scan3A_28 = arith.constant 50 : i32
    %scan3A_29 = arith.addi %scan3A, %scan3A_28 : i32
    %scan3A_30 = arith.constant 1 : i32
    %scan3A_31:2 = scf.for %scan3A_35 = %scan3A to %scan3A_29 step %scan3A_30 iter_args(%scan3A_36 = %broadcast_in_dim3A_27, %scan3A_37 = %broadcast_in_dim3A_27) -> (vector<256x128xf32>, vector<256x128xf32>)  : i32 {
      %mul3A = arith.constant 50 : i32
      %mul3A_38 = vector.broadcast %mul3A : i32 to vector<100x2xi32>
      %mul3A_39 = arith.muli %mul3A_38, %iota3A_26 : vector<100x2xi32>
      %add3A = vector.broadcast %scan3A_35 : i32 to vector<100x2xi32>
      %add3A_40 = arith.addi %add3A, %mul3A_39 : vector<100x2xi32>
      %eq3A = arith.cmpi eq, %iota3A, %add3A_40 : vector<100x2xi32>
      %convert_element_type3A = arith.extui %eq3A : vector<100x2xi1> to vector<100x2xi32>
      %convert_element_type3A_41 = arith.sitofp %convert_element_type3A : vector<100x2xi32> to vector<100x2xf32>
      %dot_general3A = arith.constant dense<0.000000e+00> : vector<256x2xf32>
      %dot_general3A_42 = tpu.matmul %get3A_25, %convert_element_type3A_41, %dot_general3A {dimension_numbers = #tpu.dot_dimension_numbers<[1], [0], [0], [1], [0, 0, 1, 1], [], []>, transpose_lhs_hint = false} : vector<256x100xf32>, vector<100x2xf32>, vector<256x2xf32> -> vector<256x2xf32>
      %dot_general3A_43 = arith.constant dense<0.000000e+00> : vector<256x384xf32>
      %dot_general3A_44 = tpu.matmul %dot_general3A_42, %get3A_1, %dot_general3A_43 {dimension_numbers = #tpu.dot_dimension_numbers<[1], [0], [0], [1], [0, 0, 1, 1], [], []>, transpose_lhs_hint = false} : vector<256x2xf32>, vector<2x384xf32>, vector<256x384xf32> -> vector<256x384xf32>
      %add3A_45 = vector.broadcast %get3A_13 : vector<1x384xf32> to vector<256x384xf32>
      %add3A_46 = arith.addf %dot_general3A_44, %add3A_45 : vector<256x384xf32>
      %dot_general3A_47 = arith.constant dense<0.000000e+00> : vector<256x384xf32>
      %dot_general3A_48 = tpu.matmul %scan3A_36, %get3A_4, %dot_general3A_47 {dimension_numbers = #tpu.dot_dimension_numbers<[1], [0], [0], [1], [0, 0, 1, 1], [], []>, transpose_lhs_hint = false} : vector<256x128xf32>, vector<128x384xf32>, vector<256x384xf32> -> vector<256x384xf32>
      %add3A_49 = vector.broadcast %get3A_16 : vector<1x384xf32> to vector<256x384xf32>
      %add3A_50 = arith.addf %dot_general3A_48, %add3A_49 : vector<256x384xf32>
      %slice3A = vector.extract_strided_slice %add3A_46 {offsets = [0, 0], sizes = [256, 64], strides = [1, 1]} : vector<256x384xf32> to vector<256x64xf32>
      %slice3A_51 = vector.extract_strided_slice %add3A_50 {offsets = [0, 0], sizes = [256, 64], strides = [1, 1]} : vector<256x384xf32> to vector<256x64xf32>
      %add3A_52 = arith.addf %slice3A, %slice3A_51 : vector<256x64xf32>
      %logistic3A = arith.negf %add3A_52 : vector<256x64xf32>
      %logistic3A_53 = math.exp %logistic3A : vector<256x64xf32>
      %logistic3A_54 = arith.constant 1.000000e+00 : f32
      %logistic3A_55 = vector.broadcast %logistic3A_54 : f32 to vector<256x64xf32>
      %logistic3A_56 = arith.addf %logistic3A_55, %logistic3A_53 : vector<256x64xf32>
      %logistic3A_57 = arith.divf %logistic3A_55, %logistic3A_56 : vector<256x64xf32>
      %slice3A_58 = vector.extract_strided_slice %add3A_46 {offsets = [0, 64], sizes = [256, 64], strides = [1, 1]} : vector<256x384xf32> to vector<256x64xf32>
      %slice3A_59 = vector.extract_strided_slice %add3A_50 {offsets = [0, 64], sizes = [256, 64], strides = [1, 1]} : vector<256x384xf32> to vector<256x64xf32>
      %add3A_60 = arith.addf %slice3A_58, %slice3A_59 : vector<256x64xf32>
      %logistic3A_61 = arith.negf %add3A_60 : vector<256x64xf32>
      %logistic3A_62 = math.exp %logistic3A_61 : vector<256x64xf32>
      %logistic3A_63 = arith.constant 1.000000e+00 : f32
      %logistic3A_64 = vector.broadcast %logistic3A_63 : f32 to vector<256x64xf32>
      %logistic3A_65 = arith.addf %logistic3A_64, %logistic3A_62 : vector<256x64xf32>
      %logistic3A_66 = arith.divf %logistic3A_64, %logistic3A_65 : vector<256x64xf32>
      %slice3A_67 = vector.extract_strided_slice %add3A_46 {offsets = [0, 128], sizes = [256, 64], strides = [1, 1]} : vector<256x384xf32> to vector<256x64xf32>
      %slice3A_68 = vector.extract_strided_slice %add3A_50 {offsets = [0, 128], sizes = [256, 64], strides = [1, 1]} : vector<256x384xf32> to vector<256x64xf32>
      %mul3A_69 = arith.mulf %logistic3A_57, %slice3A_68 : vector<256x64xf32>
      %add3A_70 = arith.addf %slice3A_67, %mul3A_69 : vector<256x64xf32>
      %tanh3A = math.tanh %add3A_70 : vector<256x64xf32>
      %slice3A_71 = vector.extract_strided_slice %scan3A_36 {offsets = [0, 0], sizes = [256, 64], strides = [1, 1]} : vector<256x128xf32> to vector<256x64xf32>
      %sub3A = arith.constant 1.000000e+00 : f32
      %sub3A_72 = vector.broadcast %sub3A : f32 to vector<256x64xf32>
      %sub3A_73 = arith.subf %sub3A_72, %logistic3A_66 : vector<256x64xf32>
      %mul3A_74 = arith.mulf %sub3A_73, %tanh3A : vector<256x64xf32>
      %mul3A_75 = arith.mulf %logistic3A_66, %slice3A_71 : vector<256x64xf32>
      %add3A_76 = arith.addf %mul3A_74, %mul3A_75 : vector<256x64xf32>
      %slice3A_77 = vector.extract_strided_slice %add3A_46 {offsets = [0, 192], sizes = [256, 64], strides = [1, 1]} : vector<256x384xf32> to vector<256x64xf32>
      %slice3A_78 = vector.extract_strided_slice %add3A_50 {offsets = [0, 192], sizes = [256, 64], strides = [1, 1]} : vector<256x384xf32> to vector<256x64xf32>
      %add3A_79 = arith.addf %slice3A_77, %slice3A_78 : vector<256x64xf32>
      %logistic3A_80 = arith.negf %add3A_79 : vector<256x64xf32>
      %logistic3A_81 = math.exp %logistic3A_80 : vector<256x64xf32>
      %logistic3A_82 = arith.constant 1.000000e+00 : f32
      %logistic3A_83 = vector.broadcast %logistic3A_82 : f32 to vector<256x64xf32>
      %logistic3A_84 = arith.addf %logistic3A_83, %logistic3A_81 : vector<256x64xf32>
      %logistic3A_85 = arith.divf %logistic3A_83, %logistic3A_84 : vector<256x64xf32>
      %slice3A_86 = vector.extract_strided_slice %add3A_46 {offsets = [0, 256], sizes = [256, 64], strides = [1, 1]} : vector<256x384xf32> to vector<256x64xf32>
      %slice3A_87 = vector.extract_strided_slice %add3A_50 {offsets = [0, 256], sizes = [256, 64], strides = [1, 1]} : vector<256x384xf32> to vector<256x64xf32>
      %add3A_88 = arith.addf %slice3A_86, %slice3A_87 : vector<256x64xf32>
      %logistic3A_89 = arith.negf %add3A_88 : vector<256x64xf32>
      %logistic3A_90 = math.exp %logistic3A_89 : vector<256x64xf32>
      %logistic3A_91 = arith.constant 1.000000e+00 : f32
      %logistic3A_92 = vector.broadcast %logistic3A_91 : f32 to vector<256x64xf32>
      %logistic3A_93 = arith.addf %logistic3A_92, %logistic3A_90 : vector<256x64xf32>
      %logistic3A_94 = arith.divf %logistic3A_92, %logistic3A_93 : vector<256x64xf32>
      %slice3A_95 = vector.extract_strided_slice %add3A_46 {offsets = [0, 320], sizes = [256, 64], strides = [1, 1]} : vector<256x384xf32> to vector<256x64xf32>
      %slice3A_96 = vector.extract_strided_slice %add3A_50 {offsets = [0, 320], sizes = [256, 64], strides = [1, 1]} : vector<256x384xf32> to vector<256x64xf32>
      %mul3A_97 = arith.mulf %logistic3A_85, %slice3A_96 : vector<256x64xf32>
      %add3A_98 = arith.addf %slice3A_95, %mul3A_97 : vector<256x64xf32>
      %tanh3A_99 = math.tanh %add3A_98 : vector<256x64xf32>
      %slice3A_100 = vector.extract_strided_slice %scan3A_36 {offsets = [0, 64], sizes = [256, 64], strides = [1, 1]} : vector<256x128xf32> to vector<256x64xf32>
      %sub3A_101 = arith.constant 1.000000e+00 : f32
      %sub3A_102 = vector.broadcast %sub3A_101 : f32 to vector<256x64xf32>
      %sub3A_103 = arith.subf %sub3A_102, %logistic3A_94 : vector<256x64xf32>
      %mul3A_104 = arith.mulf %sub3A_103, %tanh3A_99 : vector<256x64xf32>
      %mul3A_105 = arith.mulf %logistic3A_94, %slice3A_100 : vector<256x64xf32>
      %add3A_106 = arith.addf %mul3A_104, %mul3A_105 : vector<256x64xf32>
      %concatenate3A = tpu.concatenate %add3A_76, %add3A_106 in 1 : vector<256x64xf32>, vector<256x64xf32> -> vector<256x128xf32>
      %dot_general3A_107 = arith.constant dense<0.000000e+00> : vector<256x384xf32>
      %dot_general3A_108 = tpu.matmul %concatenate3A, %get3A_7, %dot_general3A_107 {dimension_numbers = #tpu.dot_dimension_numbers<[1], [0], [0], [1], [0, 0, 1, 1], [], []>, transpose_lhs_hint = false} : vector<256x128xf32>, vector<128x384xf32>, vector<256x384xf32> -> vector<256x384xf32>
      %add3A_109 = vector.broadcast %get3A_19 : vector<1x384xf32> to vector<256x384xf32>
      %add3A_110 = arith.addf %dot_general3A_108, %add3A_109 : vector<256x384xf32>
      %dot_general3A_111 = arith.constant dense<0.000000e+00> : vector<256x384xf32>
      %dot_general3A_112 = tpu.matmul %scan3A_37, %get3A_10, %dot_general3A_111 {dimension_numbers = #tpu.dot_dimension_numbers<[1], [0], [0], [1], [0, 0, 1, 1], [], []>, transpose_lhs_hint = false} : vector<256x128xf32>, vector<128x384xf32>, vector<256x384xf32> -> vector<256x384xf32>
      %add3A_113 = vector.broadcast %get3A_22 : vector<1x384xf32> to vector<256x384xf32>
      %add3A_114 = arith.addf %dot_general3A_112, %add3A_113 : vector<256x384xf32>
      %slice3A_115 = vector.extract_strided_slice %add3A_110 {offsets = [0, 0], sizes = [256, 64], strides = [1, 1]} : vector<256x384xf32> to vector<256x64xf32>
      %slice3A_116 = vector.extract_strided_slice %add3A_114 {offsets = [0, 0], sizes = [256, 64], strides = [1, 1]} : vector<256x384xf32> to vector<256x64xf32>
      %add3A_117 = arith.addf %slice3A_115, %slice3A_116 : vector<256x64xf32>
      %logistic3A_118 = arith.negf %add3A_117 : vector<256x64xf32>
      %logistic3A_119 = math.exp %logistic3A_118 : vector<256x64xf32>
      %logistic3A_120 = arith.constant 1.000000e+00 : f32
      %logistic3A_121 = vector.broadcast %logistic3A_120 : f32 to vector<256x64xf32>
      %logistic3A_122 = arith.addf %logistic3A_121, %logistic3A_119 : vector<256x64xf32>
      %logistic3A_123 = arith.divf %logistic3A_121, %logistic3A_122 : vector<256x64xf32>
      %slice3A_124 = vector.extract_strided_slice %add3A_110 {offsets = [0, 64], sizes = [256, 64], strides = [1, 1]} : vector<256x384xf32> to vector<256x64xf32>
      %slice3A_125 = vector.extract_strided_slice %add3A_114 {offsets = [0, 64], sizes = [256, 64], strides = [1, 1]} : vector<256x384xf32> to vector<256x64xf32>
      %add3A_126 = arith.addf %slice3A_124, %slice3A_125 : vector<256x64xf32>
      %logistic3A_127 = arith.negf %add3A_126 : vector<256x64xf32>
      %logistic3A_128 = math.exp %logistic3A_127 : vector<256x64xf32>
      %logistic3A_129 = arith.constant 1.000000e+00 : f32
      %logistic3A_130 = vector.broadcast %logistic3A_129 : f32 to vector<256x64xf32>
      %logistic3A_131 = arith.addf %logistic3A_130, %logistic3A_128 : vector<256x64xf32>
      %logistic3A_132 = arith.divf %logistic3A_130, %logistic3A_131 : vector<256x64xf32>
      %slice3A_133 = vector.extract_strided_slice %add3A_110 {offsets = [0, 128], sizes = [256, 64], strides = [1, 1]} : vector<256x384xf32> to vector<256x64xf32>
      %slice3A_134 = vector.extract_strided_slice %add3A_114 {offsets = [0, 128], sizes = [256, 64], strides = [1, 1]} : vector<256x384xf32> to vector<256x64xf32>
      %mul3A_135 = arith.mulf %logistic3A_123, %slice3A_134 : vector<256x64xf32>
      %add3A_136 = arith.addf %slice3A_133, %mul3A_135 : vector<256x64xf32>
      %tanh3A_137 = math.tanh %add3A_136 : vector<256x64xf32>
      %slice3A_138 = vector.extract_strided_slice %scan3A_37 {offsets = [0, 0], sizes = [256, 64], strides = [1, 1]} : vector<256x128xf32> to vector<256x64xf32>
      %sub3A_139 = arith.constant 1.000000e+00 : f32
      %sub3A_140 = vector.broadcast %sub3A_139 : f32 to vector<256x64xf32>
      %sub3A_141 = arith.subf %sub3A_140, %logistic3A_132 : vector<256x64xf32>
      %mul3A_142 = arith.mulf %sub3A_141, %tanh3A_137 : vector<256x64xf32>
      %mul3A_143 = arith.mulf %logistic3A_132, %slice3A_138 : vector<256x64xf32>
      %add3A_144 = arith.addf %mul3A_142, %mul3A_143 : vector<256x64xf32>
      %slice3A_145 = vector.extract_strided_slice %add3A_110 {offsets = [0, 192], sizes = [256, 64], strides = [1, 1]} : vector<256x384xf32> to vector<256x64xf32>
      %slice3A_146 = vector.extract_strided_slice %add3A_114 {offsets = [0, 192], sizes = [256, 64], strides = [1, 1]} : vector<256x384xf32> to vector<256x64xf32>
      %add3A_147 = arith.addf %slice3A_145, %slice3A_146 : vector<256x64xf32>
      %logistic3A_148 = arith.negf %add3A_147 : vector<256x64xf32>
      %logistic3A_149 = math.exp %logistic3A_148 : vector<256x64xf32>
      %logistic3A_150 = arith.constant 1.000000e+00 : f32
      %logistic3A_151 = vector.broadcast %logistic3A_150 : f32 to vector<256x64xf32>
      %logistic3A_152 = arith.addf %logistic3A_151, %logistic3A_149 : vector<256x64xf32>
      %logistic3A_153 = arith.divf %logistic3A_151, %logistic3A_152 : vector<256x64xf32>
      %slice3A_154 = vector.extract_strided_slice %add3A_110 {offsets = [0, 256], sizes = [256, 64], strides = [1, 1]} : vector<256x384xf32> to vector<256x64xf32>
      %slice3A_155 = vector.extract_strided_slice %add3A_114 {offsets = [0, 256], sizes = [256, 64], strides = [1, 1]} : vector<256x384xf32> to vector<256x64xf32>
      %add3A_156 = arith.addf %slice3A_154, %slice3A_155 : vector<256x64xf32>
      %logistic3A_157 = arith.negf %add3A_156 : vector<256x64xf32>
      %logistic3A_158 = math.exp %logistic3A_157 : vector<256x64xf32>
      %logistic3A_159 = arith.constant 1.000000e+00 : f32
      %logistic3A_160 = vector.broadcast %logistic3A_159 : f32 to vector<256x64xf32>
      %logistic3A_161 = arith.addf %logistic3A_160, %logistic3A_158 : vector<256x64xf32>
      %logistic3A_162 = arith.divf %logistic3A_160, %logistic3A_161 : vector<256x64xf32>
      %slice3A_163 = vector.extract_strided_slice %add3A_110 {offsets = [0, 320], sizes = [256, 64], strides = [1, 1]} : vector<256x384xf32> to vector<256x64xf32>
      %slice3A_164 = vector.extract_strided_slice %add3A_114 {offsets = [0, 320], sizes = [256, 64], strides = [1, 1]} : vector<256x384xf32> to vector<256x64xf32>
      %mul3A_165 = arith.mulf %logistic3A_153, %slice3A_164 : vector<256x64xf32>
      %add3A_166 = arith.addf %slice3A_163, %mul3A_165 : vector<256x64xf32>
      %tanh3A_167 = math.tanh %add3A_166 : vector<256x64xf32>
      %slice3A_168 = vector.extract_strided_slice %scan3A_37 {offsets = [0, 64], sizes = [256, 64], strides = [1, 1]} : vector<256x128xf32> to vector<256x64xf32>
      %sub3A_169 = arith.constant 1.000000e+00 : f32
      %sub3A_170 = vector.broadcast %sub3A_169 : f32 to vector<256x64xf32>
      %sub3A_171 = arith.subf %sub3A_170, %logistic3A_162 : vector<256x64xf32>
      %mul3A_172 = arith.mulf %sub3A_171, %tanh3A_167 : vector<256x64xf32>
      %mul3A_173 = arith.mulf %logistic3A_162, %slice3A_168 : vector<256x64xf32>
      %add3A_174 = arith.addf %mul3A_172, %mul3A_173 : vector<256x64xf32>
      %concatenate3A_175 = tpu.concatenate %add3A_144, %add3A_174 in 1 : vector<256x64xf32>, vector<256x64xf32> -> vector<256x128xf32>
      scf.yield %concatenate3A, %concatenate3A_175 : vector<256x128xf32>, vector<256x128xf32>
    }
    %scan3A_32 = arith.constant 50 : i32
    %swap3A = arith.constant 0 : index
    %swap3A_33 = arith.constant 0 : index
    %swap3A_34 = vector.load %arg7[%swap3A, %swap3A_33] : memref<256x128xf32, #tpu.memory_space<vmem>>, vector<256x128xf32>
    tpu.vector_store %arg7[%swap3A, %swap3A_33], %scan3A_31#1 {strides = array<i32>} : memref<256x128xf32, #tpu.memory_space<vmem>>, vector<256x128xf32>,
    return
  }
}

module attributes {stable_mosaic.version = 14 : i64} {
  func.func @_topk_body(%arg0: i32, %arg1: memref<256x128xf32, #tpu.memory_space<vmem>>, %arg2: memref<256x1xi32, #tpu.memory_space<vmem>>, %arg3: memref<32x1024xf32, #tpu.memory_space<vmem>>, %arg4: memref<256x1024xf32, #tpu.memory_space<vmem>>, %arg5: memref<256x21xf32, #tpu.memory_space<vmem>>, %arg6: memref<256x21xf32, #tpu.memory_space<vmem>>, %arg7: memref<256x1024xf32, #tpu.memory_space<vmem>>, %arg8: memref<256x128xf32, #tpu.memory_space<vmem>>, %arg9: memref<256x128xf32, #tpu.memory_space<vmem>>) attributes {dimension_semantics = [#tpu.dimension_semantics<arbitrary>], iteration_bounds = array<i64: 98>, scalar_prefetch = 0 : i64, scratch_operands = 3 : i64, tpu.core_type = #tpu.core_type<tc>, window_params = [{pipeline_mode = #tpu.pipeline_mode<synchronous>, transform_indices = @transform_0, window_bounds = array<i64: 256, 128>}, {pipeline_mode = #tpu.pipeline_mode<synchronous>, transform_indices = @transform_1, window_bounds = array<i64: 256, 1>}, {transform_indices = @transform_2, window_bounds = array<i64: 32, 1024>}, {transform_indices = @transform_3, window_bounds = array<i64: 256, 1024>}, {pipeline_mode = #tpu.pipeline_mode<synchronous>, transform_indices = @transform_4, window_bounds = array<i64: 256, 21>}, {pipeline_mode = #tpu.pipeline_mode<synchronous>, transform_indices = @transform_5, window_bounds = array<i64: 256, 21>}]} {
    %get3A = arith.constant 0 : index
    %get3A_0 = arith.constant 0 : index
    %get3A_1 = vector.load %arg1[%get3A, %get3A_0] : memref<256x128xf32, #tpu.memory_space<vmem>>, vector<256x128xf32>
    %get3A_2 = arith.constant 0 : index
    %get3A_3 = arith.constant 0 : index
    %get3A_4 = vector.load %arg2[%get3A_2, %get3A_3] : memref<256x1xi32, #tpu.memory_space<vmem>>, vector<256x1xi32>
    %broadcast_in_dim3A = arith.constant 0.000000e+00 : f32
    %broadcast_in_dim3A_5 = vector.broadcast %broadcast_in_dim3A : f32 to vector<256x32xf32>
    %eq3A = arith.constant 0 : i32
    %eq3A_6 = vector.broadcast %eq3A : i32 to vector<256x1xi32>
    %eq3A_7 = arith.cmpi eq, %get3A_4, %eq3A_6 : vector<256x1xi32>
    %slice3A = vector.extract_strided_slice %get3A_1 {offsets = [0, 0], sizes = [256, 32], strides = [1, 1]} : vector<256x128xf32> to vector<256x32xf32>
    %jit3A = arith.constant 0.000000e+00 : f32
    %broadcast_in_dim3A_8 = vector.shape_cast %eq3A_7 : vector<256x1xi1> to vector<256x1xi1>
    %broadcast_in_dim3A_9 = vector.broadcast %broadcast_in_dim3A_8 : vector<256x1xi1> to vector<256x32xi1>
    %broadcast_in_dim3A_10 = vector.broadcast %jit3A : f32 to vector<256x32xf32>
    %select_n3A = arith.select %broadcast_in_dim3A_9, %slice3A, %broadcast_in_dim3A_10 : vector<256x32xi1>, vector<256x32xf32>
    %add3A = arith.addf %broadcast_in_dim3A_5, %select_n3A : vector<256x32xf32>
    %eq3A_11 = arith.constant 32 : i32
    %eq3A_12 = vector.broadcast %eq3A_11 : i32 to vector<256x1xi32>
    %eq3A_13 = arith.cmpi eq, %get3A_4, %eq3A_12 : vector<256x1xi32>
    %slice3A_14 = vector.extract_strided_slice %get3A_1 {offsets = [0, 32], sizes = [256, 32], strides = [1, 1]} : vector<256x128xf32> to vector<256x32xf32>
    %jit3A_15 = arith.constant 0.000000e+00 : f32
    %broadcast_in_dim3A_16 = vector.shape_cast %eq3A_13 : vector<256x1xi1> to vector<256x1xi1>
    %broadcast_in_dim3A_17 = vector.broadcast %broadcast_in_dim3A_16 : vector<256x1xi1> to vector<256x32xi1>
    %broadcast_in_dim3A_18 = vector.broadcast %jit3A_15 : f32 to vector<256x32xf32>
    %select_n3A_19 = arith.select %broadcast_in_dim3A_17, %slice3A_14, %broadcast_in_dim3A_18 : vector<256x32xi1>, vector<256x32xf32>
    %add3A_20 = arith.addf %add3A, %select_n3A_19 : vector<256x32xf32>
    %eq3A_21 = arith.constant 64 : i32
    %eq3A_22 = vector.broadcast %eq3A_21 : i32 to vector<256x1xi32>
    %eq3A_23 = arith.cmpi eq, %get3A_4, %eq3A_22 : vector<256x1xi32>
    %slice3A_24 = vector.extract_strided_slice %get3A_1 {offsets = [0, 64], sizes = [256, 32], strides = [1, 1]} : vector<256x128xf32> to vector<256x32xf32>
    %jit3A_25 = arith.constant 0.000000e+00 : f32
    %broadcast_in_dim3A_26 = vector.shape_cast %eq3A_23 : vector<256x1xi1> to vector<256x1xi1>
    %broadcast_in_dim3A_27 = vector.broadcast %broadcast_in_dim3A_26 : vector<256x1xi1> to vector<256x32xi1>
    %broadcast_in_dim3A_28 = vector.broadcast %jit3A_25 : f32 to vector<256x32xf32>
    %select_n3A_29 = arith.select %broadcast_in_dim3A_27, %slice3A_24, %broadcast_in_dim3A_28 : vector<256x32xi1>, vector<256x32xf32>
    %add3A_30 = arith.addf %add3A_20, %select_n3A_29 : vector<256x32xf32>
    %eq3A_31 = arith.constant 96 : i32
    %eq3A_32 = vector.broadcast %eq3A_31 : i32 to vector<256x1xi32>
    %eq3A_33 = arith.cmpi eq, %get3A_4, %eq3A_32 : vector<256x1xi32>
    %slice3A_34 = vector.extract_strided_slice %get3A_1 {offsets = [0, 96], sizes = [256, 32], strides = [1, 1]} : vector<256x128xf32> to vector<256x32xf32>
    %jit3A_35 = arith.constant 0.000000e+00 : f32
    %broadcast_in_dim3A_36 = vector.shape_cast %eq3A_33 : vector<256x1xi1> to vector<256x1xi1>
    %broadcast_in_dim3A_37 = vector.broadcast %broadcast_in_dim3A_36 : vector<256x1xi1> to vector<256x32xi1>
    %broadcast_in_dim3A_38 = vector.broadcast %jit3A_35 : f32 to vector<256x32xf32>
    %select_n3A_39 = arith.select %broadcast_in_dim3A_37, %slice3A_34, %broadcast_in_dim3A_38 : vector<256x32xi1>, vector<256x32xf32>
    %add3A_40 = arith.addf %add3A_30, %select_n3A_39 : vector<256x32xf32>
    %get3A_41 = arith.constant 0 : index
    %get3A_42 = arith.constant 0 : index
    %get3A_43 = vector.load %arg3[%get3A_41, %get3A_42] : memref<32x1024xf32, #tpu.memory_space<vmem>>, vector<32x1024xf32>
    %mul3A = arith.mulf %add3A_40, %add3A_40 : vector<256x32xf32>
    %reduce_sum3A = arith.constant dense<0.000000e+00> : vector<256xf32>
    %reduce_sum3A_44 = vector.multi_reduction <add>, %mul3A, %reduce_sum3A [1] : vector<256x32xf32> to vector<256xf32>
    %broadcast_in_dim3A_45 = vector.shape_cast %reduce_sum3A_44 : vector<256xf32> to vector<256x1xf32>
    %mul3A_46 = arith.mulf %get3A_43, %get3A_43 : vector<32x1024xf32>
    %reduce_sum3A_47 = arith.constant dense<0.000000e+00> : vector<1024xf32>
    %reduce_sum3A_48 = vector.multi_reduction <add>, %mul3A_46, %reduce_sum3A_47 [0] : vector<32x1024xf32> to vector<1024xf32>
    %broadcast_in_dim3A_49 = vector.shape_cast %reduce_sum3A_48 : vector<1024xf32> to vector<1x1024xf32>
    %dot_general3A = arith.constant dense<0.000000e+00> : vector<256x1024xf32>
    %dot_general3A_50 = tpu.matmul %add3A_40, %get3A_43, %dot_general3A {dimension_numbers = #tpu.dot_dimension_numbers<[1], [0], [0], [1], [0, 0, 1, 1], [], []>, transpose_lhs_hint = false} : vector<256x32xf32>, vector<32x1024xf32>, vector<256x1024xf32> -> vector<256x1024xf32>
    %add3A_51 = vector.broadcast %broadcast_in_dim3A_45 : vector<256x1xf32> to vector<256x1024xf32>
    %add3A_52 = vector.broadcast %broadcast_in_dim3A_49 : vector<1x1024xf32> to vector<256x1024xf32>
    %add3A_53 = arith.addf %add3A_51, %add3A_52 : vector<256x1024xf32>
    %mul3A_54 = arith.constant 2.000000e+00 : f32
    %mul3A_55 = vector.broadcast %mul3A_54 : f32 to vector<256x1024xf32>
    %mul3A_56 = arith.mulf %mul3A_55, %dot_general3A_50 : vector<256x1024xf32>
    %sub3A = arith.subf %add3A_53, %mul3A_56 : vector<256x1024xf32>
    %max3A = arith.constant 0.000000e+00 : f32
    %max3A_57 = vector.broadcast %max3A : f32 to vector<256x1024xf32>
    %max3A_58 = arith.maximumf %sub3A, %max3A_57 : vector<256x1024xf32>
    %iota3A = tpu.iota {dimensions = array<i32: 1>} : vector<256x1024xi32>
    %mul3A_59 = arith.constant 1024 : i32
    %mul3A_60 = arith.muli %arg0, %mul3A_59 : i32
    %add3A_61 = vector.broadcast %mul3A_60 : i32 to vector<256x1024xi32>
    %add3A_62 = arith.addi %iota3A, %add3A_61 : vector<256x1024xi32>
    %lt3A = arith.constant 100000 : i32
    %lt3A_63 = vector.broadcast %lt3A : i32 to vector<256x1024xi32>
    %lt3A_64 = arith.cmpi slt, %add3A_62, %lt3A_63 : vector<256x1024xi32>
    %neg3A = arith.constant 0.000000e+00 : f32
    %neg3A_65 = vector.broadcast %neg3A : f32 to vector<256x1024xf32>
    %neg3A_66 = arith.subf %neg3A_65, %max3A_58 : vector<256x1024xf32>
    %jit3A_67 = arith.constant -3.000000e+38 : f32
    %broadcast_in_dim3A_68 = vector.broadcast %jit3A_67 : f32 to vector<256x1024xf32>
    %select_n3A_69 = arith.select %lt3A_64, %neg3A_66, %broadcast_in_dim3A_68 : vector<256x1024xi1>, vector<256x1024xf32>
    %swap3A = arith.constant 0 : index
    %swap3A_70 = arith.constant 0 : index
    %swap3A_71 = vector.load %arg7[%swap3A, %swap3A_70] : memref<256x1024xf32, #tpu.memory_space<vmem>>, vector<256x1024xf32>
    tpu.vector_store %arg7[%swap3A, %swap3A_70], %select_n3A_69 {strides = array<i32>} : memref<256x1024xf32, #tpu.memory_space<vmem>>, vector<256x1024xf32>,
    %get3A_72 = arith.constant 0 : index
    %get3A_73 = arith.constant 0 : index
    %get3A_74 = vector.load %arg4[%get3A_72, %get3A_73] : memref<256x1024xf32, #tpu.memory_space<vmem>>, vector<256x1024xf32>
    %iota3A_75 = tpu.iota {dimensions = array<i32: 1>} : vector<256x1024xi32>
    %iota3A_76 = tpu.iota {dimensions = array<i32: 1>} : vector<256x128xi32>
    %eq3A_77 = arith.constant 0 : i32
    %eq3A_78 = arith.cmpi eq, %arg0, %eq3A_77 : i32
    %convert_element_type3A = arith.extui %eq3A_78 : i1 to i32
    %cond3A = arith.constant 1073741824 : i32
    %cond3A_79 = arith.constant 0 : i32
    %cond3A_80 = arith.cmpi ne, %convert_element_type3A, %cond3A_79 : i32
    scf.if %cond3A_80 {
      %get3A_91 = arith.constant 0 : index
      %get3A_92 = arith.constant 0 : index
      %get3A_93 = vector.load %arg7[%get3A_91, %get3A_92] : memref<256x1024xf32, #tpu.memory_space<vmem>>, vector<256x1024xf32>
      %reduce_max3A = arith.constant dense<0xFF800000> : vector<256xf32>
      %reduce_max3A_94 = vector.multi_reduction <maximumf>, %get3A_93, %reduce_max3A [1] : vector<256x1024xf32> to vector<256xf32>
      %broadcast_in_dim3A_95 = vector.shape_cast %reduce_max3A_94 : vector<256xf32> to vector<256x1xf32>
      %eq3A_96 = vector.broadcast %broadcast_in_dim3A_95 : vector<256x1xf32> to vector<256x1024xf32>
      %eq3A_97 = arith.cmpf oeq, %get3A_93, %eq3A_96 : vector<256x1024xf32>
      %broadcast_in_dim3A_98 = vector.broadcast %cond3A : i32 to vector<256x1024xi32>
      %select_n3A_99 = arith.select %eq3A_97, %iota3A_75, %broadcast_in_dim3A_98 : vector<256x1024xi1>, vector<256x1024xi32>
      %reduce_min3A = arith.constant dense<2147483647> : vector<256xi32>
      %reduce_min3A_100 = vector.multi_reduction <minsi>, %select_n3A_99, %reduce_min3A [1] : vector<256x1024xi32> to vector<256xi32>
      %broadcast_in_dim3A_101 = vector.shape_cast %reduce_min3A_100 : vector<256xi32> to vector<256x1xi32>
      %eq3A_102 = vector.broadcast %broadcast_in_dim3A_101 : vector<256x1xi32> to vector<256x1024xi32>
      %eq3A_103 = arith.cmpi eq, %iota3A_75, %eq3A_102 : vector<256x1024xi32>
      %jit3A_104 = arith.constant 0.000000e+00 : f32
      %broadcast_in_dim3A_105 = vector.broadcast %jit3A_104 : f32 to vector<256x1024xf32>
      %select_n3A_106 = arith.select %eq3A_103, %get3A_74, %broadcast_in_dim3A_105 : vector<256x1024xi1>, vector<256x1024xf32>
      %reduce_sum3A_107 = arith.constant dense<0.000000e+00> : vector<256xf32>
      %reduce_sum3A_108 = vector.multi_reduction <add>, %select_n3A_106, %reduce_sum3A_107 [1] : vector<256x1024xf32> to vector<256xf32>
      %broadcast_in_dim3A_109 = vector.shape_cast %reduce_sum3A_108 : vector<256xf32> to vector<256x1xf32>
      %jit3A_110 = arith.constant -3.000000e+38 : f32
      %broadcast_in_dim3A_111 = vector.broadcast %jit3A_110 : f32 to vector<256x1024xf32>
      %select_n3A_112 = arith.select %eq3A_103, %broadcast_in_dim3A_111, %get3A_93 : vector<256x1024xi1>, vector<256x1024xf32>
      %swap3A_113 = arith.constant 0 : index
      %swap3A_114 = arith.constant 0 : index
      %swap3A_115 = vector.load %arg7[%swap3A_113, %swap3A_114] : memref<256x1024xf32, #tpu.memory_space<vmem>>, vector<256x1024xf32>
      tpu.vector_store %arg7[%swap3A_113, %swap3A_114], %select_n3A_112 {strides = array<i32>} : memref<256x1024xf32, #tpu.memory_space<vmem>>, vector<256x1024xf32>,
      %get3A_116 = arith.constant 0 : index
      %get3A_117 = arith.constant 0 : index
      %get3A_118 = vector.load %arg7[%get3A_116, %get3A_117] : memref<256x1024xf32, #tpu.memory_space<vmem>>, vector<256x1024xf32>
      %reduce_max3A_119 = arith.constant dense<0xFF800000> : vector<256xf32>
      %reduce_max3A_120 = vector.multi_reduction <maximumf>, %get3A_118, %reduce_max3A_119 [1] : vector<256x1024xf32> to vector<256xf32>
      %broadcast_in_dim3A_121 = vector.shape_cast %reduce_max3A_120 : vector<256xf32> to vector<256x1xf32>
      %eq3A_122 = vector.broadcast %broadcast_in_dim3A_121 : vector<256x1xf32> to vector<256x1024xf32>
      %eq3A_123 = arith.cmpf oeq, %get3A_118, %eq3A_122 : vector<256x1024xf32>
      %broadcast_in_dim3A_124 = vector.broadcast %cond3A : i32 to vector<256x1024xi32>
      %select_n3A_125 = arith.select %eq3A_123, %iota3A_75, %broadcast_in_dim3A_124 : vector<256x1024xi1>, vector<256x1024xi32>
      %reduce_min3A_126 = arith.constant dense<2147483647> : vector<256xi32>
      %reduce_min3A_127 = vector.multi_reduction <minsi>, %select_n3A_125, %reduce_min3A_126 [1] : vector<256x1024xi32> to vector<256xi32>
      %broadcast_in_dim3A_128 = vector.shape_cast %reduce_min3A_127 : vector<256xi32> to vector<256x1xi32>
      %eq3A_129 = vector.broadcast %broadcast_in_dim3A_128 : vector<256x1xi32> to vector<256x1024xi32>
      %eq3A_130 = arith.cmpi eq, %iota3A_75, %eq3A_129 : vector<256x1024xi32>
      %jit3A_131 = arith.constant 0.000000e+00 : f32
      %broadcast_in_dim3A_132 = vector.broadcast %jit3A_131 : f32 to vector<256x1024xf32>
      %select_n3A_133 = arith.select %eq3A_130, %get3A_74, %broadcast_in_dim3A_132 : vector<256x1024xi1>, vector<256x1024xf32>
      %reduce_sum3A_134 = arith.constant dense<0.000000e+00> : vector<256xf32>
      %reduce_sum3A_135 = vector.multi_reduction <add>, %select_n3A_133, %reduce_sum3A_134 [1] : vector<256x1024xf32> to vector<256xf32>
      %broadcast_in_dim3A_136 = vector.shape_cast %reduce_sum3A_135 : vector<256xf32> to vector<256x1xf32>
      %jit3A_137 = arith.constant -3.000000e+38 : f32
      %broadcast_in_dim3A_138 = vector.broadcast %jit3A_137 : f32 to vector<256x1024xf32>
      %select_n3A_139 = arith.select %eq3A_130, %broadcast_in_dim3A_138, %get3A_118 : vector<256x1024xi1>, vector<256x1024xf32>
      %swap3A_140 = arith.constant 0 : index
      %swap3A_141 = arith.constant 0 : index
      %swap3A_142 = vector.load %arg7[%swap3A_140, %swap3A_141] : memref<256x1024xf32, #tpu.memory_space<vmem>>, vector<256x1024xf32>
      tpu.vector_store %arg7[%swap3A_140, %swap3A_141], %select_n3A_139 {strides = array<i32>} : memref<256x1024xf32, #tpu.memory_space<vmem>>, vector<256x1024xf32>,
      %get3A_143 = arith.constant 0 : index
      %get3A_144 = arith.constant 0 : index
      %get3A_145 = vector.load %arg7[%get3A_143, %get3A_144] : memref<256x1024xf32, #tpu.memory_space<vmem>>, vector<256x1024xf32>
      %reduce_max3A_146 = arith.constant dense<0xFF800000> : vector<256xf32>
      %reduce_max3A_147 = vector.multi_reduction <maximumf>, %get3A_145, %reduce_max3A_146 [1] : vector<256x1024xf32> to vector<256xf32>
      %broadcast_in_dim3A_148 = vector.shape_cast %reduce_max3A_147 : vector<256xf32> to vector<256x1xf32>
      %eq3A_149 = vector.broadcast %broadcast_in_dim3A_148 : vector<256x1xf32> to vector<256x1024xf32>
      %eq3A_150 = arith.cmpf oeq, %get3A_145, %eq3A_149 : vector<256x1024xf32>
      %broadcast_in_dim3A_151 = vector.broadcast %cond3A : i32 to vector<256x1024xi32>
      %select_n3A_152 = arith.select %eq3A_150, %iota3A_75, %broadcast_in_dim3A_151 : vector<256x1024xi1>, vector<256x1024xi32>
      %reduce_min3A_153 = arith.constant dense<2147483647> : vector<256xi32>
      %reduce_min3A_154 = vector.multi_reduction <minsi>, %select_n3A_152, %reduce_min3A_153 [1] : vector<256x1024xi32> to vector<256xi32>
      %broadcast_in_dim3A_155 = vector.shape_cast %reduce_min3A_154 : vector<256xi32> to vector<256x1xi32>
      %eq3A_156 = vector.broadcast %broadcast_in_dim3A_155 : vector<256x1xi32> to vector<256x1024xi32>
      %eq3A_157 = arith.cmpi eq, %iota3A_75, %eq3A_156 : vector<256x1024xi32>
      %jit3A_158 = arith.constant 0.000000e+00 : f32
      %broadcast_in_dim3A_159 = vector.broadcast %jit3A_158 : f32 to vector<256x1024xf32>
      %select_n3A_160 = arith.select %eq3A_157, %get3A_74, %broadcast_in_dim3A_159 : vector<256x1024xi1>, vector<256x1024xf32>
      %reduce_sum3A_161 = arith.constant dense<0.000000e+00> : vector<256xf32>
      %reduce_sum3A_162 = vector.multi_reduction <add>, %select_n3A_160, %reduce_sum3A_161 [1] : vector<256x1024xf32> to vector<256xf32>
      %broadcast_in_dim3A_163 = vector.shape_cast %reduce_sum3A_162 : vector<256xf32> to vector<256x1xf32>
      %jit3A_164 = arith.constant -3.000000e+38 : f32
      %broadcast_in_dim3A_165 = vector.broadcast %jit3A_164 : f32 to vector<256x1024xf32>
      %select_n3A_166 = arith.select %eq3A_157, %broadcast_in_dim3A_165, %get3A_145 : vector<256x1024xi1>, vector<256x1024xf32>
      %swap3A_167 = arith.constant 0 : index
      %swap3A_168 = arith.constant 0 : index
      %swap3A_169 = vector.load %arg7[%swap3A_167, %swap3A_168] : memref<256x1024xf32, #tpu.memory_space<vmem>>, vector<256x1024xf32>
      tpu.vector_store %arg7[%swap3A_167, %swap3A_168], %select_n3A_166 {strides = array<i32>} : memref<256x1024xf32, #tpu.memory_space<vmem>>, vector<256x1024xf32>,
      %get3A_170 = arith.constant 0 : index
      %get3A_171 = arith.constant 0 : index
      %get3A_172 = vector.load %arg7[%get3A_170, %get3A_171] : memref<256x1024xf32, #tpu.memory_space<vmem>>, vector<256x1024xf32>
      %reduce_max3A_173 = arith.constant dense<0xFF800000> : vector<256xf32>
      %reduce_max3A_174 = vector.multi_reduction <maximumf>, %get3A_172, %reduce_max3A_173 [1] : vector<256x1024xf32> to vector<256xf32>
      %broadcast_in_dim3A_175 = vector.shape_cast %reduce_max3A_174 : vector<256xf32> to vector<256x1xf32>
      %eq3A_176 = vector.broadcast %broadcast_in_dim3A_175 : vector<256x1xf32> to vector<256x1024xf32>
      %eq3A_177 = arith.cmpf oeq, %get3A_172, %eq3A_176 : vector<256x1024xf32>
      %broadcast_in_dim3A_178 = vector.broadcast %cond3A : i32 to vector<256x1024xi32>
      %select_n3A_179 = arith.select %eq3A_177, %iota3A_75, %broadcast_in_dim3A_178 : vector<256x1024xi1>, vector<256x1024xi32>
      %reduce_min3A_180 = arith.constant dense<2147483647> : vector<256xi32>
      %reduce_min3A_181 = vector.multi_reduction <minsi>, %select_n3A_179, %reduce_min3A_180 [1] : vector<256x1024xi32> to vector<256xi32>
      %broadcast_in_dim3A_182 = vector.shape_cast %reduce_min3A_181 : vector<256xi32> to vector<256x1xi32>
      %eq3A_183 = vector.broadcast %broadcast_in_dim3A_182 : vector<256x1xi32> to vector<256x1024xi32>
      %eq3A_184 = arith.cmpi eq, %iota3A_75, %eq3A_183 : vector<256x1024xi32>
      %jit3A_185 = arith.constant 0.000000e+00 : f32
      %broadcast_in_dim3A_186 = vector.broadcast %jit3A_185 : f32 to vector<256x1024xf32>
      %select_n3A_187 = arith.select %eq3A_184, %get3A_74, %broadcast_in_dim3A_186 : vector<256x1024xi1>, vector<256x1024xf32>
      %reduce_sum3A_188 = arith.constant dense<0.000000e+00> : vector<256xf32>
      %reduce_sum3A_189 = vector.multi_reduction <add>, %select_n3A_187, %reduce_sum3A_188 [1] : vector<256x1024xf32> to vector<256xf32>
      %broadcast_in_dim3A_190 = vector.shape_cast %reduce_sum3A_189 : vector<256xf32> to vector<256x1xf32>
      %jit3A_191 = arith.constant -3.000000e+38 : f32
      %broadcast_in_dim3A_192 = vector.broadcast %jit3A_191 : f32 to vector<256x1024xf32>
      %select_n3A_193 = arith.select %eq3A_184, %broadcast_in_dim3A_192, %get3A_172 : vector<256x1024xi1>, vector<256x1024xf32>
      %swap3A_194 = arith.constant 0 : index
      %swap3A_195 = arith.constant 0 : index
      %swap3A_196 = vector.load %arg7[%swap3A_194, %swap3A_195] : memref<256x1024xf32, #tpu.memory_space<vmem>>, vector<256x1024xf32>
      tpu.vector_store %arg7[%swap3A_194, %swap3A_195], %select_n3A_193 {strides = array<i32>} : memref<256x1024xf32, #tpu.memory_space<vmem>>, vector<256x1024xf32>,
      %get3A_197 = arith.constant 0 : index
      %get3A_198 = arith.constant 0 : index
      %get3A_199 = vector.load %arg7[%get3A_197, %get3A_198] : memref<256x1024xf32, #tpu.memory_space<vmem>>, vector<256x1024xf32>
      %reduce_max3A_200 = arith.constant dense<0xFF800000> : vector<256xf32>
      %reduce_max3A_201 = vector.multi_reduction <maximumf>, %get3A_199, %reduce_max3A_200 [1] : vector<256x1024xf32> to vector<256xf32>
      %broadcast_in_dim3A_202 = vector.shape_cast %reduce_max3A_201 : vector<256xf32> to vector<256x1xf32>
      %eq3A_203 = vector.broadcast %broadcast_in_dim3A_202 : vector<256x1xf32> to vector<256x1024xf32>
      %eq3A_204 = arith.cmpf oeq, %get3A_199, %eq3A_203 : vector<256x1024xf32>
      %broadcast_in_dim3A_205 = vector.broadcast %cond3A : i32 to vector<256x1024xi32>
      %select_n3A_206 = arith.select %eq3A_204, %iota3A_75, %broadcast_in_dim3A_205 : vector<256x1024xi1>, vector<256x1024xi32>
      %reduce_min3A_207 = arith.constant dense<2147483647> : vector<256xi32>
      %reduce_min3A_208 = vector.multi_reduction <minsi>, %select_n3A_206, %reduce_min3A_207 [1] : vector<256x1024xi32> to vector<256xi32>
      %broadcast_in_dim3A_209 = vector.shape_cast %reduce_min3A_208 : vector<256xi32> to vector<256x1xi32>
      %eq3A_210 = vector.broadcast %broadcast_in_dim3A_209 : vector<256x1xi32> to vector<256x1024xi32>
      %eq3A_211 = arith.cmpi eq, %iota3A_75, %eq3A_210 : vector<256x1024xi32>
      %jit3A_212 = arith.constant 0.000000e+00 : f32
      %broadcast_in_dim3A_213 = vector.broadcast %jit3A_212 : f32 to vector<256x1024xf32>
      %select_n3A_214 = arith.select %eq3A_211, %get3A_74, %broadcast_in_dim3A_213 : vector<256x1024xi1>, vector<256x1024xf32>
      %reduce_sum3A_215 = arith.constant dense<0.000000e+00> : vector<256xf32>
      %reduce_sum3A_216 = vector.multi_reduction <add>, %select_n3A_214, %reduce_sum3A_215 [1] : vector<256x1024xf32> to vector<256xf32>
      %broadcast_in_dim3A_217 = vector.shape_cast %reduce_sum3A_216 : vector<256xf32> to vector<256x1xf32>
      %jit3A_218 = arith.constant -3.000000e+38 : f32
      %broadcast_in_dim3A_219 = vector.broadcast %jit3A_218 : f32 to vector<256x1024xf32>
      %select_n3A_220 = arith.select %eq3A_211, %broadcast_in_dim3A_219, %get3A_199 : vector<256x1024xi1>, vector<256x1024xf32>
      %swap3A_221 = arith.constant 0 : index
      %swap3A_222 = arith.constant 0 : index
      %swap3A_223 = vector.load %arg7[%swap3A_221, %swap3A_222] : memref<256x1024xf32, #tpu.memory_space<vmem>>, vector<256x1024xf32>
      tpu.vector_store %arg7[%swap3A_221, %swap3A_222], %select_n3A_220 {strides = array<i32>} : memref<256x1024xf32, #tpu.memory_space<vmem>>, vector<256x1024xf32>,
      %get3A_224 = arith.constant 0 : index
      %get3A_225 = arith.constant 0 : index
      %get3A_226 = vector.load %arg7[%get3A_224, %get3A_225] : memref<256x1024xf32, #tpu.memory_space<vmem>>, vector<256x1024xf32>
      %reduce_max3A_227 = arith.constant dense<0xFF800000> : vector<256xf32>
      %reduce_max3A_228 = vector.multi_reduction <maximumf>, %get3A_226, %reduce_max3A_227 [1] : vector<256x1024xf32> to vector<256xf32>
      %broadcast_in_dim3A_229 = vector.shape_cast %reduce_max3A_228 : vector<256xf32> to vector<256x1xf32>
      %eq3A_230 = vector.broadcast %broadcast_in_dim3A_229 : vector<256x1xf32> to vector<256x1024xf32>
      %eq3A_231 = arith.cmpf oeq, %get3A_226, %eq3A_230 : vector<256x1024xf32>
      %broadcast_in_dim3A_232 = vector.broadcast %cond3A : i32 to vector<256x1024xi32>
      %select_n3A_233 = arith.select %eq3A_231, %iota3A_75, %broadcast_in_dim3A_232 : vector<256x1024xi1>, vector<256x1024xi32>
      %reduce_min3A_234 = arith.constant dense<2147483647> : vector<256xi32>
      %reduce_min3A_235 = vector.multi_reduction <minsi>, %select_n3A_233, %reduce_min3A_234 [1] : vector<256x1024xi32> to vector<256xi32>
      %broadcast_in_dim3A_236 = vector.shape_cast %reduce_min3A_235 : vector<256xi32> to vector<256x1xi32>
      %eq3A_237 = vector.broadcast %broadcast_in_dim3A_236 : vector<256x1xi32> to vector<256x1024xi32>
      %eq3A_238 = arith.cmpi eq, %iota3A_75, %eq3A_237 : vector<256x1024xi32>
      %jit3A_239 = arith.constant 0.000000e+00 : f32
      %broadcast_in_dim3A_240 = vector.broadcast %jit3A_239 : f32 to vector<256x1024xf32>
      %select_n3A_241 = arith.select %eq3A_238, %get3A_74, %broadcast_in_dim3A_240 : vector<256x1024xi1>, vector<256x1024xf32>
      %reduce_sum3A_242 = arith.constant dense<0.000000e+00> : vector<256xf32>
      %reduce_sum3A_243 = vector.multi_reduction <add>, %select_n3A_241, %reduce_sum3A_242 [1] : vector<256x1024xf32> to vector<256xf32>
      %broadcast_in_dim3A_244 = vector.shape_cast %reduce_sum3A_243 : vector<256xf32> to vector<256x1xf32>
      %jit3A_245 = arith.constant -3.000000e+38 : f32
      %broadcast_in_dim3A_246 = vector.broadcast %jit3A_245 : f32 to vector<256x1024xf32>
      %select_n3A_247 = arith.select %eq3A_238, %broadcast_in_dim3A_246, %get3A_226 : vector<256x1024xi1>, vector<256x1024xf32>
      %swap3A_248 = arith.constant 0 : index
      %swap3A_249 = arith.constant 0 : index
      %swap3A_250 = vector.load %arg7[%swap3A_248, %swap3A_249] : memref<256x1024xf32, #tpu.memory_space<vmem>>, vector<256x1024xf32>
      tpu.vector_store %arg7[%swap3A_248, %swap3A_249], %select_n3A_247 {strides = array<i32>} : memref<256x1024xf32, #tpu.memory_space<vmem>>, vector<256x1024xf32>,
      %get3A_251 = arith.constant 0 : index
      %get3A_252 = arith.constant 0 : index
      %get3A_253 = vector.load %arg7[%get3A_251, %get3A_252] : memref<256x1024xf32, #tpu.memory_space<vmem>>, vector<256x1024xf32>
      %reduce_max3A_254 = arith.constant dense<0xFF800000> : vector<256xf32>
      %reduce_max3A_255 = vector.multi_reduction <maximumf>, %get3A_253, %reduce_max3A_254 [1] : vector<256x1024xf32> to vector<256xf32>
      %broadcast_in_dim3A_256 = vector.shape_cast %reduce_max3A_255 : vector<256xf32> to vector<256x1xf32>
      %eq3A_257 = vector.broadcast %broadcast_in_dim3A_256 : vector<256x1xf32> to vector<256x1024xf32>
      %eq3A_258 = arith.cmpf oeq, %get3A_253, %eq3A_257 : vector<256x1024xf32>
      %broadcast_in_dim3A_259 = vector.broadcast %cond3A : i32 to vector<256x1024xi32>
      %select_n3A_260 = arith.select %eq3A_258, %iota3A_75, %broadcast_in_dim3A_259 : vector<256x1024xi1>, vector<256x1024xi32>
      %reduce_min3A_261 = arith.constant dense<2147483647> : vector<256xi32>
      %reduce_min3A_262 = vector.multi_reduction <minsi>, %select_n3A_260, %reduce_min3A_261 [1] : vector<256x1024xi32> to vector<256xi32>
      %broadcast_in_dim3A_263 = vector.shape_cast %reduce_min3A_262 : vector<256xi32> to vector<256x1xi32>
      %eq3A_264 = vector.broadcast %broadcast_in_dim3A_263 : vector<256x1xi32> to vector<256x1024xi32>
      %eq3A_265 = arith.cmpi eq, %iota3A_75, %eq3A_264 : vector<256x1024xi32>
      %jit3A_266 = arith.constant 0.000000e+00 : f32
      %broadcast_in_dim3A_267 = vector.broadcast %jit3A_266 : f32 to vector<256x1024xf32>
      %select_n3A_268 = arith.select %eq3A_265, %get3A_74, %broadcast_in_dim3A_267 : vector<256x1024xi1>, vector<256x1024xf32>
      %reduce_sum3A_269 = arith.constant dense<0.000000e+00> : vector<256xf32>
      %reduce_sum3A_270 = vector.multi_reduction <add>, %select_n3A_268, %reduce_sum3A_269 [1] : vector<256x1024xf32> to vector<256xf32>
      %broadcast_in_dim3A_271 = vector.shape_cast %reduce_sum3A_270 : vector<256xf32> to vector<256x1xf32>
      %jit3A_272 = arith.constant -3.000000e+38 : f32
      %broadcast_in_dim3A_273 = vector.broadcast %jit3A_272 : f32 to vector<256x1024xf32>
      %select_n3A_274 = arith.select %eq3A_265, %broadcast_in_dim3A_273, %get3A_253 : vector<256x1024xi1>, vector<256x1024xf32>
      %swap3A_275 = arith.constant 0 : index
      %swap3A_276 = arith.constant 0 : index
      %swap3A_277 = vector.load %arg7[%swap3A_275, %swap3A_276] : memref<256x1024xf32, #tpu.memory_space<vmem>>, vector<256x1024xf32>
      tpu.vector_store %arg7[%swap3A_275, %swap3A_276], %select_n3A_274 {strides = array<i32>} : memref<256x1024xf32, #tpu.memory_space<vmem>>, vector<256x1024xf32>,
      %get3A_278 = arith.constant 0 : index
      %get3A_279 = arith.constant 0 : index
      %get3A_280 = vector.load %arg7[%get3A_278, %get3A_279] : memref<256x1024xf32, #tpu.memory_space<vmem>>, vector<256x1024xf32>
      %reduce_max3A_281 = arith.constant dense<0xFF800000> : vector<256xf32>
      %reduce_max3A_282 = vector.multi_reduction <maximumf>, %get3A_280, %reduce_max3A_281 [1] : vector<256x1024xf32> to vector<256xf32>
      %broadcast_in_dim3A_283 = vector.shape_cast %reduce_max3A_282 : vector<256xf32> to vector<256x1xf32>
      %eq3A_284 = vector.broadcast %broadcast_in_dim3A_283 : vector<256x1xf32> to vector<256x1024xf32>
      %eq3A_285 = arith.cmpf oeq, %get3A_280, %eq3A_284 : vector<256x1024xf32>
      %broadcast_in_dim3A_286 = vector.broadcast %cond3A : i32 to vector<256x1024xi32>
      %select_n3A_287 = arith.select %eq3A_285, %iota3A_75, %broadcast_in_dim3A_286 : vector<256x1024xi1>, vector<256x1024xi32>
      %reduce_min3A_288 = arith.constant dense<2147483647> : vector<256xi32>
      %reduce_min3A_289 = vector.multi_reduction <minsi>, %select_n3A_287, %reduce_min3A_288 [1] : vector<256x1024xi32> to vector<256xi32>
      %broadcast_in_dim3A_290 = vector.shape_cast %reduce_min3A_289 : vector<256xi32> to vector<256x1xi32>
      %eq3A_291 = vector.broadcast %broadcast_in_dim3A_290 : vector<256x1xi32> to vector<256x1024xi32>
      %eq3A_292 = arith.cmpi eq, %iota3A_75, %eq3A_291 : vector<256x1024xi32>
      %jit3A_293 = arith.constant 0.000000e+00 : f32
      %broadcast_in_dim3A_294 = vector.broadcast %jit3A_293 : f32 to vector<256x1024xf32>
      %select_n3A_295 = arith.select %eq3A_292, %get3A_74, %broadcast_in_dim3A_294 : vector<256x1024xi1>, vector<256x1024xf32>
      %reduce_sum3A_296 = arith.constant dense<0.000000e+00> : vector<256xf32>
      %reduce_sum3A_297 = vector.multi_reduction <add>, %select_n3A_295, %reduce_sum3A_296 [1] : vector<256x1024xf32> to vector<256xf32>
      %broadcast_in_dim3A_298 = vector.shape_cast %reduce_sum3A_297 : vector<256xf32> to vector<256x1xf32>
      %jit3A_299 = arith.constant -3.000000e+38 : f32
      %broadcast_in_dim3A_300 = vector.broadcast %jit3A_299 : f32 to vector<256x1024xf32>
      %select_n3A_301 = arith.select %eq3A_292, %broadcast_in_dim3A_300, %get3A_280 : vector<256x1024xi1>, vector<256x1024xf32>
      %swap3A_302 = arith.constant 0 : index
      %swap3A_303 = arith.constant 0 : index
      %swap3A_304 = vector.load %arg7[%swap3A_302, %swap3A_303] : memref<256x1024xf32, #tpu.memory_space<vmem>>, vector<256x1024xf32>
      tpu.vector_store %arg7[%swap3A_302, %swap3A_303], %select_n3A_301 {strides = array<i32>} : memref<256x1024xf32, #tpu.memory_space<vmem>>, vector<256x1024xf32>,
      %get3A_305 = arith.constant 0 : index
      %get3A_306 = arith.constant 0 : index
      %get3A_307 = vector.load %arg7[%get3A_305, %get3A_306] : memref<256x1024xf32, #tpu.memory_space<vmem>>, vector<256x1024xf32>
      %reduce_max3A_308 = arith.constant dense<0xFF800000> : vector<256xf32>
      %reduce_max3A_309 = vector.multi_reduction <maximumf>, %get3A_307, %reduce_max3A_308 [1] : vector<256x1024xf32> to vector<256xf32>
      %broadcast_in_dim3A_310 = vector.shape_cast %reduce_max3A_309 : vector<256xf32> to vector<256x1xf32>
      %eq3A_311 = vector.broadcast %broadcast_in_dim3A_310 : vector<256x1xf32> to vector<256x1024xf32>
      %eq3A_312 = arith.cmpf oeq, %get3A_307, %eq3A_311 : vector<256x1024xf32>
      %broadcast_in_dim3A_313 = vector.broadcast %cond3A : i32 to vector<256x1024xi32>
      %select_n3A_314 = arith.select %eq3A_312, %iota3A_75, %broadcast_in_dim3A_313 : vector<256x1024xi1>, vector<256x1024xi32>
      %reduce_min3A_315 = arith.constant dense<2147483647> : vector<256xi32>
      %reduce_min3A_316 = vector.multi_reduction <minsi>, %select_n3A_314, %reduce_min3A_315 [1] : vector<256x1024xi32> to vector<256xi32>
      %broadcast_in_dim3A_317 = vector.shape_cast %reduce_min3A_316 : vector<256xi32> to vector<256x1xi32>
      %eq3A_318 = vector.broadcast %broadcast_in_dim3A_317 : vector<256x1xi32> to vector<256x1024xi32>
      %eq3A_319 = arith.cmpi eq, %iota3A_75, %eq3A_318 : vector<256x1024xi32>
      %jit3A_320 = arith.constant 0.000000e+00 : f32
      %broadcast_in_dim3A_321 = vector.broadcast %jit3A_320 : f32 to vector<256x1024xf32>
      %select_n3A_322 = arith.select %eq3A_319, %get3A_74, %broadcast_in_dim3A_321 : vector<256x1024xi1>, vector<256x1024xf32>
      %reduce_sum3A_323 = arith.constant dense<0.000000e+00> : vector<256xf32>
      %reduce_sum3A_324 = vector.multi_reduction <add>, %select_n3A_322, %reduce_sum3A_323 [1] : vector<256x1024xf32> to vector<256xf32>
      %broadcast_in_dim3A_325 = vector.shape_cast %reduce_sum3A_324 : vector<256xf32> to vector<256x1xf32>
      %jit3A_326 = arith.constant -3.000000e+38 : f32
      %broadcast_in_dim3A_327 = vector.broadcast %jit3A_326 : f32 to vector<256x1024xf32>
      %select_n3A_328 = arith.select %eq3A_319, %broadcast_in_dim3A_327, %get3A_307 : vector<256x1024xi1>, vector<256x1024xf32>
      %swap3A_329 = arith.constant 0 : index
      %swap3A_330 = arith.constant 0 : index
      %swap3A_331 = vector.load %arg7[%swap3A_329, %swap3A_330] : memref<256x1024xf32, #tpu.memory_space<vmem>>, vector<256x1024xf32>
      tpu.vector_store %arg7[%swap3A_329, %swap3A_330], %select_n3A_328 {strides = array<i32>} : memref<256x1024xf32, #tpu.memory_space<vmem>>, vector<256x1024xf32>,
      %get3A_332 = arith.constant 0 : index
      %get3A_333 = arith.constant 0 : index
      %get3A_334 = vector.load %arg7[%get3A_332, %get3A_333] : memref<256x1024xf32, #tpu.memory_space<vmem>>, vector<256x1024xf32>
      %reduce_max3A_335 = arith.constant dense<0xFF800000> : vector<256xf32>
      %reduce_max3A_336 = vector.multi_reduction <maximumf>, %get3A_334, %reduce_max3A_335 [1] : vector<256x1024xf32> to vector<256xf32>
      %broadcast_in_dim3A_337 = vector.shape_cast %reduce_max3A_336 : vector<256xf32> to vector<256x1xf32>
      %eq3A_338 = vector.broadcast %broadcast_in_dim3A_337 : vector<256x1xf32> to vector<256x1024xf32>
      %eq3A_339 = arith.cmpf oeq, %get3A_334, %eq3A_338 : vector<256x1024xf32>
      %broadcast_in_dim3A_340 = vector.broadcast %cond3A : i32 to vector<256x1024xi32>
      %select_n3A_341 = arith.select %eq3A_339, %iota3A_75, %broadcast_in_dim3A_340 : vector<256x1024xi1>, vector<256x1024xi32>
      %reduce_min3A_342 = arith.constant dense<2147483647> : vector<256xi32>
      %reduce_min3A_343 = vector.multi_reduction <minsi>, %select_n3A_341, %reduce_min3A_342 [1] : vector<256x1024xi32> to vector<256xi32>
      %broadcast_in_dim3A_344 = vector.shape_cast %reduce_min3A_343 : vector<256xi32> to vector<256x1xi32>
      %eq3A_345 = vector.broadcast %broadcast_in_dim3A_344 : vector<256x1xi32> to vector<256x1024xi32>
      %eq3A_346 = arith.cmpi eq, %iota3A_75, %eq3A_345 : vector<256x1024xi32>
      %jit3A_347 = arith.constant 0.000000e+00 : f32
      %broadcast_in_dim3A_348 = vector.broadcast %jit3A_347 : f32 to vector<256x1024xf32>
      %select_n3A_349 = arith.select %eq3A_346, %get3A_74, %broadcast_in_dim3A_348 : vector<256x1024xi1>, vector<256x1024xf32>
      %reduce_sum3A_350 = arith.constant dense<0.000000e+00> : vector<256xf32>
      %reduce_sum3A_351 = vector.multi_reduction <add>, %select_n3A_349, %reduce_sum3A_350 [1] : vector<256x1024xf32> to vector<256xf32>
      %broadcast_in_dim3A_352 = vector.shape_cast %reduce_sum3A_351 : vector<256xf32> to vector<256x1xf32>
      %jit3A_353 = arith.constant -3.000000e+38 : f32
      %broadcast_in_dim3A_354 = vector.broadcast %jit3A_353 : f32 to vector<256x1024xf32>
      %select_n3A_355 = arith.select %eq3A_346, %broadcast_in_dim3A_354, %get3A_334 : vector<256x1024xi1>, vector<256x1024xf32>
      %swap3A_356 = arith.constant 0 : index
      %swap3A_357 = arith.constant 0 : index
      %swap3A_358 = vector.load %arg7[%swap3A_356, %swap3A_357] : memref<256x1024xf32, #tpu.memory_space<vmem>>, vector<256x1024xf32>
      tpu.vector_store %arg7[%swap3A_356, %swap3A_357], %select_n3A_355 {strides = array<i32>} : memref<256x1024xf32, #tpu.memory_space<vmem>>, vector<256x1024xf32>,
      %get3A_359 = arith.constant 0 : index
      %get3A_360 = arith.constant 0 : index
      %get3A_361 = vector.load %arg7[%get3A_359, %get3A_360] : memref<256x1024xf32, #tpu.memory_space<vmem>>, vector<256x1024xf32>
      %reduce_max3A_362 = arith.constant dense<0xFF800000> : vector<256xf32>
      %reduce_max3A_363 = vector.multi_reduction <maximumf>, %get3A_361, %reduce_max3A_362 [1] : vector<256x1024xf32> to vector<256xf32>
      %broadcast_in_dim3A_364 = vector.shape_cast %reduce_max3A_363 : vector<256xf32> to vector<256x1xf32>
      %eq3A_365 = vector.broadcast %broadcast_in_dim3A_364 : vector<256x1xf32> to vector<256x1024xf32>
      %eq3A_366 = arith.cmpf oeq, %get3A_361, %eq3A_365 : vector<256x1024xf32>
      %broadcast_in_dim3A_367 = vector.broadcast %cond3A : i32 to vector<256x1024xi32>
      %select_n3A_368 = arith.select %eq3A_366, %iota3A_75, %broadcast_in_dim3A_367 : vector<256x1024xi1>, vector<256x1024xi32>
      %reduce_min3A_369 = arith.constant dense<2147483647> : vector<256xi32>
      %reduce_min3A_370 = vector.multi_reduction <minsi>, %select_n3A_368, %reduce_min3A_369 [1] : vector<256x1024xi32> to vector<256xi32>
      %broadcast_in_dim3A_371 = vector.shape_cast %reduce_min3A_370 : vector<256xi32> to vector<256x1xi32>
      %eq3A_372 = vector.broadcast %broadcast_in_dim3A_371 : vector<256x1xi32> to vector<256x1024xi32>
      %eq3A_373 = arith.cmpi eq, %iota3A_75, %eq3A_372 : vector<256x1024xi32>
      %jit3A_374 = arith.constant 0.000000e+00 : f32
      %broadcast_in_dim3A_375 = vector.broadcast %jit3A_374 : f32 to vector<256x1024xf32>
      %select_n3A_376 = arith.select %eq3A_373, %get3A_74, %broadcast_in_dim3A_375 : vector<256x1024xi1>, vector<256x1024xf32>
      %reduce_sum3A_377 = arith.constant dense<0.000000e+00> : vector<256xf32>
      %reduce_sum3A_378 = vector.multi_reduction <add>, %select_n3A_376, %reduce_sum3A_377 [1] : vector<256x1024xf32> to vector<256xf32>
      %broadcast_in_dim3A_379 = vector.shape_cast %reduce_sum3A_378 : vector<256xf32> to vector<256x1xf32>
      %jit3A_380 = arith.constant -3.000000e+38 : f32
      %broadcast_in_dim3A_381 = vector.broadcast %jit3A_380 : f32 to vector<256x1024xf32>
      %select_n3A_382 = arith.select %eq3A_373, %broadcast_in_dim3A_381, %get3A_361 : vector<256x1024xi1>, vector<256x1024xf32>
      %swap3A_383 = arith.constant 0 : index
      %swap3A_384 = arith.constant 0 : index
      %swap3A_385 = vector.load %arg7[%swap3A_383, %swap3A_384] : memref<256x1024xf32, #tpu.memory_space<vmem>>, vector<256x1024xf32>
      tpu.vector_store %arg7[%swap3A_383, %swap3A_384], %select_n3A_382 {strides = array<i32>} : memref<256x1024xf32, #tpu.memory_space<vmem>>, vector<256x1024xf32>,
      %get3A_386 = arith.constant 0 : index
      %get3A_387 = arith.constant 0 : index
      %get3A_388 = vector.load %arg7[%get3A_386, %get3A_387] : memref<256x1024xf32, #tpu.memory_space<vmem>>, vector<256x1024xf32>
      %reduce_max3A_389 = arith.constant dense<0xFF800000> : vector<256xf32>
      %reduce_max3A_390 = vector.multi_reduction <maximumf>, %get3A_388, %reduce_max3A_389 [1] : vector<256x1024xf32> to vector<256xf32>
      %broadcast_in_dim3A_391 = vector.shape_cast %reduce_max3A_390 : vector<256xf32> to vector<256x1xf32>
      %eq3A_392 = vector.broadcast %broadcast_in_dim3A_391 : vector<256x1xf32> to vector<256x1024xf32>
      %eq3A_393 = arith.cmpf oeq, %get3A_388, %eq3A_392 : vector<256x1024xf32>
      %broadcast_in_dim3A_394 = vector.broadcast %cond3A : i32 to vector<256x1024xi32>
      %select_n3A_395 = arith.select %eq3A_393, %iota3A_75, %broadcast_in_dim3A_394 : vector<256x1024xi1>, vector<256x1024xi32>
      %reduce_min3A_396 = arith.constant dense<2147483647> : vector<256xi32>
      %reduce_min3A_397 = vector.multi_reduction <minsi>, %select_n3A_395, %reduce_min3A_396 [1] : vector<256x1024xi32> to vector<256xi32>
      %broadcast_in_dim3A_398 = vector.shape_cast %reduce_min3A_397 : vector<256xi32> to vector<256x1xi32>
      %eq3A_399 = vector.broadcast %broadcast_in_dim3A_398 : vector<256x1xi32> to vector<256x1024xi32>
      %eq3A_400 = arith.cmpi eq, %iota3A_75, %eq3A_399 : vector<256x1024xi32>
      %jit3A_401 = arith.constant 0.000000e+00 : f32
      %broadcast_in_dim3A_402 = vector.broadcast %jit3A_401 : f32 to vector<256x1024xf32>
      %select_n3A_403 = arith.select %eq3A_400, %get3A_74, %broadcast_in_dim3A_402 : vector<256x1024xi1>, vector<256x1024xf32>
      %reduce_sum3A_404 = arith.constant dense<0.000000e+00> : vector<256xf32>
      %reduce_sum3A_405 = vector.multi_reduction <add>, %select_n3A_403, %reduce_sum3A_404 [1] : vector<256x1024xf32> to vector<256xf32>
      %broadcast_in_dim3A_406 = vector.shape_cast %reduce_sum3A_405 : vector<256xf32> to vector<256x1xf32>
      %jit3A_407 = arith.constant -3.000000e+38 : f32
      %broadcast_in_dim3A_408 = vector.broadcast %jit3A_407 : f32 to vector<256x1024xf32>
      %select_n3A_409 = arith.select %eq3A_400, %broadcast_in_dim3A_408, %get3A_388 : vector<256x1024xi1>, vector<256x1024xf32>
      %swap3A_410 = arith.constant 0 : index
      %swap3A_411 = arith.constant 0 : index
      %swap3A_412 = vector.load %arg7[%swap3A_410, %swap3A_411] : memref<256x1024xf32, #tpu.memory_space<vmem>>, vector<256x1024xf32>
      tpu.vector_store %arg7[%swap3A_410, %swap3A_411], %select_n3A_409 {strides = array<i32>} : memref<256x1024xf32, #tpu.memory_space<vmem>>, vector<256x1024xf32>,
      %get3A_413 = arith.constant 0 : index
      %get3A_414 = arith.constant 0 : index
      %get3A_415 = vector.load %arg7[%get3A_413, %get3A_414] : memref<256x1024xf32, #tpu.memory_space<vmem>>, vector<256x1024xf32>
      %reduce_max3A_416 = arith.constant dense<0xFF800000> : vector<256xf32>
      %reduce_max3A_417 = vector.multi_reduction <maximumf>, %get3A_415, %reduce_max3A_416 [1] : vector<256x1024xf32> to vector<256xf32>
      %broadcast_in_dim3A_418 = vector.shape_cast %reduce_max3A_417 : vector<256xf32> to vector<256x1xf32>
      %eq3A_419 = vector.broadcast %broadcast_in_dim3A_418 : vector<256x1xf32> to vector<256x1024xf32>
      %eq3A_420 = arith.cmpf oeq, %get3A_415, %eq3A_419 : vector<256x1024xf32>
      %broadcast_in_dim3A_421 = vector.broadcast %cond3A : i32 to vector<256x1024xi32>
      %select_n3A_422 = arith.select %eq3A_420, %iota3A_75, %broadcast_in_dim3A_421 : vector<256x1024xi1>, vector<256x1024xi32>
      %reduce_min3A_423 = arith.constant dense<2147483647> : vector<256xi32>
      %reduce_min3A_424 = vector.multi_reduction <minsi>, %select_n3A_422, %reduce_min3A_423 [1] : vector<256x1024xi32> to vector<256xi32>
      %broadcast_in_dim3A_425 = vector.shape_cast %reduce_min3A_424 : vector<256xi32> to vector<256x1xi32>
      %eq3A_426 = vector.broadcast %broadcast_in_dim3A_425 : vector<256x1xi32> to vector<256x1024xi32>
      %eq3A_427 = arith.cmpi eq, %iota3A_75, %eq3A_426 : vector<256x1024xi32>
      %jit3A_428 = arith.constant 0.000000e+00 : f32
      %broadcast_in_dim3A_429 = vector.broadcast %jit3A_428 : f32 to vector<256x1024xf32>
      %select_n3A_430 = arith.select %eq3A_427, %get3A_74, %broadcast_in_dim3A_429 : vector<256x1024xi1>, vector<256x1024xf32>
      %reduce_sum3A_431 = arith.constant dense<0.000000e+00> : vector<256xf32>
      %reduce_sum3A_432 = vector.multi_reduction <add>, %select_n3A_430, %reduce_sum3A_431 [1] : vector<256x1024xf32> to vector<256xf32>
      %broadcast_in_dim3A_433 = vector.shape_cast %reduce_sum3A_432 : vector<256xf32> to vector<256x1xf32>
      %jit3A_434 = arith.constant -3.000000e+38 : f32
      %broadcast_in_dim3A_435 = vector.broadcast %jit3A_434 : f32 to vector<256x1024xf32>
      %select_n3A_436 = arith.select %eq3A_427, %broadcast_in_dim3A_435, %get3A_415 : vector<256x1024xi1>, vector<256x1024xf32>
      %swap3A_437 = arith.constant 0 : index
      %swap3A_438 = arith.constant 0 : index
      %swap3A_439 = vector.load %arg7[%swap3A_437, %swap3A_438] : memref<256x1024xf32, #tpu.memory_space<vmem>>, vector<256x1024xf32>
      tpu.vector_store %arg7[%swap3A_437, %swap3A_438], %select_n3A_436 {strides = array<i32>} : memref<256x1024xf32, #tpu.memory_space<vmem>>, vector<256x1024xf32>,
      %get3A_440 = arith.constant 0 : index
      %get3A_441 = arith.constant 0 : index
      %get3A_442 = vector.load %arg7[%get3A_440, %get3A_441] : memref<256x1024xf32, #tpu.memory_space<vmem>>, vector<256x1024xf32>
      %reduce_max3A_443 = arith.constant dense<0xFF800000> : vector<256xf32>
      %reduce_max3A_444 = vector.multi_reduction <maximumf>, %get3A_442, %reduce_max3A_443 [1] : vector<256x1024xf32> to vector<256xf32>
      %broadcast_in_dim3A_445 = vector.shape_cast %reduce_max3A_444 : vector<256xf32> to vector<256x1xf32>
      %eq3A_446 = vector.broadcast %broadcast_in_dim3A_445 : vector<256x1xf32> to vector<256x1024xf32>
      %eq3A_447 = arith.cmpf oeq, %get3A_442, %eq3A_446 : vector<256x1024xf32>
      %broadcast_in_dim3A_448 = vector.broadcast %cond3A : i32 to vector<256x1024xi32>
      %select_n3A_449 = arith.select %eq3A_447, %iota3A_75, %broadcast_in_dim3A_448 : vector<256x1024xi1>, vector<256x1024xi32>
      %reduce_min3A_450 = arith.constant dense<2147483647> : vector<256xi32>
      %reduce_min3A_451 = vector.multi_reduction <minsi>, %select_n3A_449, %reduce_min3A_450 [1] : vector<256x1024xi32> to vector<256xi32>
      %broadcast_in_dim3A_452 = vector.shape_cast %reduce_min3A_451 : vector<256xi32> to vector<256x1xi32>
      %eq3A_453 = vector.broadcast %broadcast_in_dim3A_452 : vector<256x1xi32> to vector<256x1024xi32>
      %eq3A_454 = arith.cmpi eq, %iota3A_75, %eq3A_453 : vector<256x1024xi32>
      %jit3A_455 = arith.constant 0.000000e+00 : f32
      %broadcast_in_dim3A_456 = vector.broadcast %jit3A_455 : f32 to vector<256x1024xf32>
      %select_n3A_457 = arith.select %eq3A_454, %get3A_74, %broadcast_in_dim3A_456 : vector<256x1024xi1>, vector<256x1024xf32>
      %reduce_sum3A_458 = arith.constant dense<0.000000e+00> : vector<256xf32>
      %reduce_sum3A_459 = vector.multi_reduction <add>, %select_n3A_457, %reduce_sum3A_458 [1] : vector<256x1024xf32> to vector<256xf32>
      %broadcast_in_dim3A_460 = vector.shape_cast %reduce_sum3A_459 : vector<256xf32> to vector<256x1xf32>
      %jit3A_461 = arith.constant -3.000000e+38 : f32
      %broadcast_in_dim3A_462 = vector.broadcast %jit3A_461 : f32 to vector<256x1024xf32>
      %select_n3A_463 = arith.select %eq3A_454, %broadcast_in_dim3A_462, %get3A_442 : vector<256x1024xi1>, vector<256x1024xf32>
      %swap3A_464 = arith.constant 0 : index
      %swap3A_465 = arith.constant 0 : index
      %swap3A_466 = vector.load %arg7[%swap3A_464, %swap3A_465] : memref<256x1024xf32, #tpu.memory_space<vmem>>, vector<256x1024xf32>
      tpu.vector_store %arg7[%swap3A_464, %swap3A_465], %select_n3A_463 {strides = array<i32>} : memref<256x1024xf32, #tpu.memory_space<vmem>>, vector<256x1024xf32>,
      %get3A_467 = arith.constant 0 : index
      %get3A_468 = arith.constant 0 : index
      %get3A_469 = vector.load %arg7[%get3A_467, %get3A_468] : memref<256x1024xf32, #tpu.memory_space<vmem>>, vector<256x1024xf32>
      %reduce_max3A_470 = arith.constant dense<0xFF800000> : vector<256xf32>
      %reduce_max3A_471 = vector.multi_reduction <maximumf>, %get3A_469, %reduce_max3A_470 [1] : vector<256x1024xf32> to vector<256xf32>
      %broadcast_in_dim3A_472 = vector.shape_cast %reduce_max3A_471 : vector<256xf32> to vector<256x1xf32>
      %eq3A_473 = vector.broadcast %broadcast_in_dim3A_472 : vector<256x1xf32> to vector<256x1024xf32>
      %eq3A_474 = arith.cmpf oeq, %get3A_469, %eq3A_473 : vector<256x1024xf32>
      %broadcast_in_dim3A_475 = vector.broadcast %cond3A : i32 to vector<256x1024xi32>
      %select_n3A_476 = arith.select %eq3A_474, %iota3A_75, %broadcast_in_dim3A_475 : vector<256x1024xi1>, vector<256x1024xi32>
      %reduce_min3A_477 = arith.constant dense<2147483647> : vector<256xi32>
      %reduce_min3A_478 = vector.multi_reduction <minsi>, %select_n3A_476, %reduce_min3A_477 [1] : vector<256x1024xi32> to vector<256xi32>
      %broadcast_in_dim3A_479 = vector.shape_cast %reduce_min3A_478 : vector<256xi32> to vector<256x1xi32>
      %eq3A_480 = vector.broadcast %broadcast_in_dim3A_479 : vector<256x1xi32> to vector<256x1024xi32>
      %eq3A_481 = arith.cmpi eq, %iota3A_75, %eq3A_480 : vector<256x1024xi32>
      %jit3A_482 = arith.constant 0.000000e+00 : f32
      %broadcast_in_dim3A_483 = vector.broadcast %jit3A_482 : f32 to vector<256x1024xf32>
      %select_n3A_484 = arith.select %eq3A_481, %get3A_74, %broadcast_in_dim3A_483 : vector<256x1024xi1>, vector<256x1024xf32>
      %reduce_sum3A_485 = arith.constant dense<0.000000e+00> : vector<256xf32>
      %reduce_sum3A_486 = vector.multi_reduction <add>, %select_n3A_484, %reduce_sum3A_485 [1] : vector<256x1024xf32> to vector<256xf32>
      %broadcast_in_dim3A_487 = vector.shape_cast %reduce_sum3A_486 : vector<256xf32> to vector<256x1xf32>
      %jit3A_488 = arith.constant -3.000000e+38 : f32
      %broadcast_in_dim3A_489 = vector.broadcast %jit3A_488 : f32 to vector<256x1024xf32>
      %select_n3A_490 = arith.select %eq3A_481, %broadcast_in_dim3A_489, %get3A_469 : vector<256x1024xi1>, vector<256x1024xf32>
      %swap3A_491 = arith.constant 0 : index
      %swap3A_492 = arith.constant 0 : index
      %swap3A_493 = vector.load %arg7[%swap3A_491, %swap3A_492] : memref<256x1024xf32, #tpu.memory_space<vmem>>, vector<256x1024xf32>
      tpu.vector_store %arg7[%swap3A_491, %swap3A_492], %select_n3A_490 {strides = array<i32>} : memref<256x1024xf32, #tpu.memory_space<vmem>>, vector<256x1024xf32>,
      %get3A_494 = arith.constant 0 : index
      %get3A_495 = arith.constant 0 : index
      %get3A_496 = vector.load %arg7[%get3A_494, %get3A_495] : memref<256x1024xf32, #tpu.memory_space<vmem>>, vector<256x1024xf32>
      %reduce_max3A_497 = arith.constant dense<0xFF800000> : vector<256xf32>
      %reduce_max3A_498 = vector.multi_reduction <maximumf>, %get3A_496, %reduce_max3A_497 [1] : vector<256x1024xf32> to vector<256xf32>
      %broadcast_in_dim3A_499 = vector.shape_cast %reduce_max3A_498 : vector<256xf32> to vector<256x1xf32>
      %eq3A_500 = vector.broadcast %broadcast_in_dim3A_499 : vector<256x1xf32> to vector<256x1024xf32>
      %eq3A_501 = arith.cmpf oeq, %get3A_496, %eq3A_500 : vector<256x1024xf32>
      %broadcast_in_dim3A_502 = vector.broadcast %cond3A : i32 to vector<256x1024xi32>
      %select_n3A_503 = arith.select %eq3A_501, %iota3A_75, %broadcast_in_dim3A_502 : vector<256x1024xi1>, vector<256x1024xi32>
      %reduce_min3A_504 = arith.constant dense<2147483647> : vector<256xi32>
      %reduce_min3A_505 = vector.multi_reduction <minsi>, %select_n3A_503, %reduce_min3A_504 [1] : vector<256x1024xi32> to vector<256xi32>
      %broadcast_in_dim3A_506 = vector.shape_cast %reduce_min3A_505 : vector<256xi32> to vector<256x1xi32>
      %eq3A_507 = vector.broadcast %broadcast_in_dim3A_506 : vector<256x1xi32> to vector<256x1024xi32>
      %eq3A_508 = arith.cmpi eq, %iota3A_75, %eq3A_507 : vector<256x1024xi32>
      %jit3A_509 = arith.constant 0.000000e+00 : f32
      %broadcast_in_dim3A_510 = vector.broadcast %jit3A_509 : f32 to vector<256x1024xf32>
      %select_n3A_511 = arith.select %eq3A_508, %get3A_74, %broadcast_in_dim3A_510 : vector<256x1024xi1>, vector<256x1024xf32>
      %reduce_sum3A_512 = arith.constant dense<0.000000e+00> : vector<256xf32>
      %reduce_sum3A_513 = vector.multi_reduction <add>, %select_n3A_511, %reduce_sum3A_512 [1] : vector<256x1024xf32> to vector<256xf32>
      %broadcast_in_dim3A_514 = vector.shape_cast %reduce_sum3A_513 : vector<256xf32> to vector<256x1xf32>
      %jit3A_515 = arith.constant -3.000000e+38 : f32
      %broadcast_in_dim3A_516 = vector.broadcast %jit3A_515 : f32 to vector<256x1024xf32>
      %select_n3A_517 = arith.select %eq3A_508, %broadcast_in_dim3A_516, %get3A_496 : vector<256x1024xi1>, vector<256x1024xf32>
      %swap3A_518 = arith.constant 0 : index
      %swap3A_519 = arith.constant 0 : index
      %swap3A_520 = vector.load %arg7[%swap3A_518, %swap3A_519] : memref<256x1024xf32, #tpu.memory_space<vmem>>, vector<256x1024xf32>
      tpu.vector_store %arg7[%swap3A_518, %swap3A_519], %select_n3A_517 {strides = array<i32>} : memref<256x1024xf32, #tpu.memory_space<vmem>>, vector<256x1024xf32>,
      %get3A_521 = arith.constant 0 : index
      %get3A_522 = arith.constant 0 : index
      %get3A_523 = vector.load %arg7[%get3A_521, %get3A_522] : memref<256x1024xf32, #tpu.memory_space<vmem>>, vector<256x1024xf32>
      %reduce_max3A_524 = arith.constant dense<0xFF800000> : vector<256xf32>
      %reduce_max3A_525 = vector.multi_reduction <maximumf>, %get3A_523, %reduce_max3A_524 [1] : vector<256x1024xf32> to vector<256xf32>
      %broadcast_in_dim3A_526 = vector.shape_cast %reduce_max3A_525 : vector<256xf32> to vector<256x1xf32>
      %eq3A_527 = vector.broadcast %broadcast_in_dim3A_526 : vector<256x1xf32> to vector<256x1024xf32>
      %eq3A_528 = arith.cmpf oeq, %get3A_523, %eq3A_527 : vector<256x1024xf32>
      %broadcast_in_dim3A_529 = vector.broadcast %cond3A : i32 to vector<256x1024xi32>
      %select_n3A_530 = arith.select %eq3A_528, %iota3A_75, %broadcast_in_dim3A_529 : vector<256x1024xi1>, vector<256x1024xi32>
      %reduce_min3A_531 = arith.constant dense<2147483647> : vector<256xi32>
      %reduce_min3A_532 = vector.multi_reduction <minsi>, %select_n3A_530, %reduce_min3A_531 [1] : vector<256x1024xi32> to vector<256xi32>
      %broadcast_in_dim3A_533 = vector.shape_cast %reduce_min3A_532 : vector<256xi32> to vector<256x1xi32>
      %eq3A_534 = vector.broadcast %broadcast_in_dim3A_533 : vector<256x1xi32> to vector<256x1024xi32>
      %eq3A_535 = arith.cmpi eq, %iota3A_75, %eq3A_534 : vector<256x1024xi32>
      %jit3A_536 = arith.constant 0.000000e+00 : f32
      %broadcast_in_dim3A_537 = vector.broadcast %jit3A_536 : f32 to vector<256x1024xf32>
      %select_n3A_538 = arith.select %eq3A_535, %get3A_74, %broadcast_in_dim3A_537 : vector<256x1024xi1>, vector<256x1024xf32>
      %reduce_sum3A_539 = arith.constant dense<0.000000e+00> : vector<256xf32>
      %reduce_sum3A_540 = vector.multi_reduction <add>, %select_n3A_538, %reduce_sum3A_539 [1] : vector<256x1024xf32> to vector<256xf32>
      %broadcast_in_dim3A_541 = vector.shape_cast %reduce_sum3A_540 : vector<256xf32> to vector<256x1xf32>
      %jit3A_542 = arith.constant -3.000000e+38 : f32
      %broadcast_in_dim3A_543 = vector.broadcast %jit3A_542 : f32 to vector<256x1024xf32>
      %select_n3A_544 = arith.select %eq3A_535, %broadcast_in_dim3A_543, %get3A_523 : vector<256x1024xi1>, vector<256x1024xf32>
      %swap3A_545 = arith.constant 0 : index
      %swap3A_546 = arith.constant 0 : index
      %swap3A_547 = vector.load %arg7[%swap3A_545, %swap3A_546] : memref<256x1024xf32, #tpu.memory_space<vmem>>, vector<256x1024xf32>
      tpu.vector_store %arg7[%swap3A_545, %swap3A_546], %select_n3A_544 {strides = array<i32>} : memref<256x1024xf32, #tpu.memory_space<vmem>>, vector<256x1024xf32>,
      %get3A_548 = arith.constant 0 : index
      %get3A_549 = arith.constant 0 : index
      %get3A_550 = vector.load %arg7[%get3A_548, %get3A_549] : memref<256x1024xf32, #tpu.memory_space<vmem>>, vector<256x1024xf32>
      %reduce_max3A_551 = arith.constant dense<0xFF800000> : vector<256xf32>
      %reduce_max3A_552 = vector.multi_reduction <maximumf>, %get3A_550, %reduce_max3A_551 [1] : vector<256x1024xf32> to vector<256xf32>
      %broadcast_in_dim3A_553 = vector.shape_cast %reduce_max3A_552 : vector<256xf32> to vector<256x1xf32>
      %eq3A_554 = vector.broadcast %broadcast_in_dim3A_553 : vector<256x1xf32> to vector<256x1024xf32>
      %eq3A_555 = arith.cmpf oeq, %get3A_550, %eq3A_554 : vector<256x1024xf32>
      %broadcast_in_dim3A_556 = vector.broadcast %cond3A : i32 to vector<256x1024xi32>
      %select_n3A_557 = arith.select %eq3A_555, %iota3A_75, %broadcast_in_dim3A_556 : vector<256x1024xi1>, vector<256x1024xi32>
      %reduce_min3A_558 = arith.constant dense<2147483647> : vector<256xi32>
      %reduce_min3A_559 = vector.multi_reduction <minsi>, %select_n3A_557, %reduce_min3A_558 [1] : vector<256x1024xi32> to vector<256xi32>
      %broadcast_in_dim3A_560 = vector.shape_cast %reduce_min3A_559 : vector<256xi32> to vector<256x1xi32>
      %eq3A_561 = vector.broadcast %broadcast_in_dim3A_560 : vector<256x1xi32> to vector<256x1024xi32>
      %eq3A_562 = arith.cmpi eq, %iota3A_75, %eq3A_561 : vector<256x1024xi32>
      %jit3A_563 = arith.constant 0.000000e+00 : f32
      %broadcast_in_dim3A_564 = vector.broadcast %jit3A_563 : f32 to vector<256x1024xf32>
      %select_n3A_565 = arith.select %eq3A_562, %get3A_74, %broadcast_in_dim3A_564 : vector<256x1024xi1>, vector<256x1024xf32>
      %reduce_sum3A_566 = arith.constant dense<0.000000e+00> : vector<256xf32>
      %reduce_sum3A_567 = vector.multi_reduction <add>, %select_n3A_565, %reduce_sum3A_566 [1] : vector<256x1024xf32> to vector<256xf32>
      %broadcast_in_dim3A_568 = vector.shape_cast %reduce_sum3A_567 : vector<256xf32> to vector<256x1xf32>
      %jit3A_569 = arith.constant -3.000000e+38 : f32
      %broadcast_in_dim3A_570 = vector.broadcast %jit3A_569 : f32 to vector<256x1024xf32>
      %select_n3A_571 = arith.select %eq3A_562, %broadcast_in_dim3A_570, %get3A_550 : vector<256x1024xi1>, vector<256x1024xf32>
      %swap3A_572 = arith.constant 0 : index
      %swap3A_573 = arith.constant 0 : index
      %swap3A_574 = vector.load %arg7[%swap3A_572, %swap3A_573] : memref<256x1024xf32, #tpu.memory_space<vmem>>, vector<256x1024xf32>
      tpu.vector_store %arg7[%swap3A_572, %swap3A_573], %select_n3A_571 {strides = array<i32>} : memref<256x1024xf32, #tpu.memory_space<vmem>>, vector<256x1024xf32>,
      %get3A_575 = arith.constant 0 : index
      %get3A_576 = arith.constant 0 : index
      %get3A_577 = vector.load %arg7[%get3A_575, %get3A_576] : memref<256x1024xf32, #tpu.memory_space<vmem>>, vector<256x1024xf32>
      %reduce_max3A_578 = arith.constant dense<0xFF800000> : vector<256xf32>
      %reduce_max3A_579 = vector.multi_reduction <maximumf>, %get3A_577, %reduce_max3A_578 [1] : vector<256x1024xf32> to vector<256xf32>
      %broadcast_in_dim3A_580 = vector.shape_cast %reduce_max3A_579 : vector<256xf32> to vector<256x1xf32>
      %eq3A_581 = vector.broadcast %broadcast_in_dim3A_580 : vector<256x1xf32> to vector<256x1024xf32>
      %eq3A_582 = arith.cmpf oeq, %get3A_577, %eq3A_581 : vector<256x1024xf32>
      %broadcast_in_dim3A_583 = vector.broadcast %cond3A : i32 to vector<256x1024xi32>
      %select_n3A_584 = arith.select %eq3A_582, %iota3A_75, %broadcast_in_dim3A_583 : vector<256x1024xi1>, vector<256x1024xi32>
      %reduce_min3A_585 = arith.constant dense<2147483647> : vector<256xi32>
      %reduce_min3A_586 = vector.multi_reduction <minsi>, %select_n3A_584, %reduce_min3A_585 [1] : vector<256x1024xi32> to vector<256xi32>
      %broadcast_in_dim3A_587 = vector.shape_cast %reduce_min3A_586 : vector<256xi32> to vector<256x1xi32>
      %eq3A_588 = vector.broadcast %broadcast_in_dim3A_587 : vector<256x1xi32> to vector<256x1024xi32>
      %eq3A_589 = arith.cmpi eq, %iota3A_75, %eq3A_588 : vector<256x1024xi32>
      %jit3A_590 = arith.constant 0.000000e+00 : f32
      %broadcast_in_dim3A_591 = vector.broadcast %jit3A_590 : f32 to vector<256x1024xf32>
      %select_n3A_592 = arith.select %eq3A_589, %get3A_74, %broadcast_in_dim3A_591 : vector<256x1024xi1>, vector<256x1024xf32>
      %reduce_sum3A_593 = arith.constant dense<0.000000e+00> : vector<256xf32>
      %reduce_sum3A_594 = vector.multi_reduction <add>, %select_n3A_592, %reduce_sum3A_593 [1] : vector<256x1024xf32> to vector<256xf32>
      %broadcast_in_dim3A_595 = vector.shape_cast %reduce_sum3A_594 : vector<256xf32> to vector<256x1xf32>
      %jit3A_596 = arith.constant -3.000000e+38 : f32
      %broadcast_in_dim3A_597 = vector.broadcast %jit3A_596 : f32 to vector<256x1024xf32>
      %select_n3A_598 = arith.select %eq3A_589, %broadcast_in_dim3A_597, %get3A_577 : vector<256x1024xi1>, vector<256x1024xf32>
      %swap3A_599 = arith.constant 0 : index
      %swap3A_600 = arith.constant 0 : index
      %swap3A_601 = vector.load %arg7[%swap3A_599, %swap3A_600] : memref<256x1024xf32, #tpu.memory_space<vmem>>, vector<256x1024xf32>
      tpu.vector_store %arg7[%swap3A_599, %swap3A_600], %select_n3A_598 {strides = array<i32>} : memref<256x1024xf32, #tpu.memory_space<vmem>>, vector<256x1024xf32>,
      %get3A_602 = arith.constant 0 : index
      %get3A_603 = arith.constant 0 : index
      %get3A_604 = vector.load %arg7[%get3A_602, %get3A_603] : memref<256x1024xf32, #tpu.memory_space<vmem>>, vector<256x1024xf32>
      %reduce_max3A_605 = arith.constant dense<0xFF800000> : vector<256xf32>
      %reduce_max3A_606 = vector.multi_reduction <maximumf>, %get3A_604, %reduce_max3A_605 [1] : vector<256x1024xf32> to vector<256xf32>
      %broadcast_in_dim3A_607 = vector.shape_cast %reduce_max3A_606 : vector<256xf32> to vector<256x1xf32>
      %eq3A_608 = vector.broadcast %broadcast_in_dim3A_607 : vector<256x1xf32> to vector<256x1024xf32>
      %eq3A_609 = arith.cmpf oeq, %get3A_604, %eq3A_608 : vector<256x1024xf32>
      %broadcast_in_dim3A_610 = vector.broadcast %cond3A : i32 to vector<256x1024xi32>
      %select_n3A_611 = arith.select %eq3A_609, %iota3A_75, %broadcast_in_dim3A_610 : vector<256x1024xi1>, vector<256x1024xi32>
      %reduce_min3A_612 = arith.constant dense<2147483647> : vector<256xi32>
      %reduce_min3A_613 = vector.multi_reduction <minsi>, %select_n3A_611, %reduce_min3A_612 [1] : vector<256x1024xi32> to vector<256xi32>
      %broadcast_in_dim3A_614 = vector.shape_cast %reduce_min3A_613 : vector<256xi32> to vector<256x1xi32>
      %eq3A_615 = vector.broadcast %broadcast_in_dim3A_614 : vector<256x1xi32> to vector<256x1024xi32>
      %eq3A_616 = arith.cmpi eq, %iota3A_75, %eq3A_615 : vector<256x1024xi32>
      %jit3A_617 = arith.constant 0.000000e+00 : f32
      %broadcast_in_dim3A_618 = vector.broadcast %jit3A_617 : f32 to vector<256x1024xf32>
      %select_n3A_619 = arith.select %eq3A_616, %get3A_74, %broadcast_in_dim3A_618 : vector<256x1024xi1>, vector<256x1024xf32>
      %reduce_sum3A_620 = arith.constant dense<0.000000e+00> : vector<256xf32>
      %reduce_sum3A_621 = vector.multi_reduction <add>, %select_n3A_619, %reduce_sum3A_620 [1] : vector<256x1024xf32> to vector<256xf32>
      %broadcast_in_dim3A_622 = vector.shape_cast %reduce_sum3A_621 : vector<256xf32> to vector<256x1xf32>
      %jit3A_623 = arith.constant -3.000000e+38 : f32
      %broadcast_in_dim3A_624 = vector.broadcast %jit3A_623 : f32 to vector<256x1024xf32>
      %select_n3A_625 = arith.select %eq3A_616, %broadcast_in_dim3A_624, %get3A_604 : vector<256x1024xi1>, vector<256x1024xf32>
      %swap3A_626 = arith.constant 0 : index
      %swap3A_627 = arith.constant 0 : index
      %swap3A_628 = vector.load %arg7[%swap3A_626, %swap3A_627] : memref<256x1024xf32, #tpu.memory_space<vmem>>, vector<256x1024xf32>
      tpu.vector_store %arg7[%swap3A_626, %swap3A_627], %select_n3A_625 {strides = array<i32>} : memref<256x1024xf32, #tpu.memory_space<vmem>>, vector<256x1024xf32>,
      %get3A_629 = arith.constant 0 : index
      %get3A_630 = arith.constant 0 : index
      %get3A_631 = vector.load %arg7[%get3A_629, %get3A_630] : memref<256x1024xf32, #tpu.memory_space<vmem>>, vector<256x1024xf32>
      %reduce_max3A_632 = arith.constant dense<0xFF800000> : vector<256xf32>
      %reduce_max3A_633 = vector.multi_reduction <maximumf>, %get3A_631, %reduce_max3A_632 [1] : vector<256x1024xf32> to vector<256xf32>
      %broadcast_in_dim3A_634 = vector.shape_cast %reduce_max3A_633 : vector<256xf32> to vector<256x1xf32>
      %eq3A_635 = vector.broadcast %broadcast_in_dim3A_634 : vector<256x1xf32> to vector<256x1024xf32>
      %eq3A_636 = arith.cmpf oeq, %get3A_631, %eq3A_635 : vector<256x1024xf32>
      %broadcast_in_dim3A_637 = vector.broadcast %cond3A : i32 to vector<256x1024xi32>
      %select_n3A_638 = arith.select %eq3A_636, %iota3A_75, %broadcast_in_dim3A_637 : vector<256x1024xi1>, vector<256x1024xi32>
      %reduce_min3A_639 = arith.constant dense<2147483647> : vector<256xi32>
      %reduce_min3A_640 = vector.multi_reduction <minsi>, %select_n3A_638, %reduce_min3A_639 [1] : vector<256x1024xi32> to vector<256xi32>
      %broadcast_in_dim3A_641 = vector.shape_cast %reduce_min3A_640 : vector<256xi32> to vector<256x1xi32>
      %eq3A_642 = vector.broadcast %broadcast_in_dim3A_641 : vector<256x1xi32> to vector<256x1024xi32>
      %eq3A_643 = arith.cmpi eq, %iota3A_75, %eq3A_642 : vector<256x1024xi32>
      %jit3A_644 = arith.constant 0.000000e+00 : f32
      %broadcast_in_dim3A_645 = vector.broadcast %jit3A_644 : f32 to vector<256x1024xf32>
      %select_n3A_646 = arith.select %eq3A_643, %get3A_74, %broadcast_in_dim3A_645 : vector<256x1024xi1>, vector<256x1024xf32>
      %reduce_sum3A_647 = arith.constant dense<0.000000e+00> : vector<256xf32>
      %reduce_sum3A_648 = vector.multi_reduction <add>, %select_n3A_646, %reduce_sum3A_647 [1] : vector<256x1024xf32> to vector<256xf32>
      %broadcast_in_dim3A_649 = vector.shape_cast %reduce_sum3A_648 : vector<256xf32> to vector<256x1xf32>
      %jit3A_650 = arith.constant -3.000000e+38 : f32
      %broadcast_in_dim3A_651 = vector.broadcast %jit3A_650 : f32 to vector<256x1024xf32>
      %select_n3A_652 = arith.select %eq3A_643, %broadcast_in_dim3A_651, %get3A_631 : vector<256x1024xi1>, vector<256x1024xf32>
      %swap3A_653 = arith.constant 0 : index
      %swap3A_654 = arith.constant 0 : index
      %swap3A_655 = vector.load %arg7[%swap3A_653, %swap3A_654] : memref<256x1024xf32, #tpu.memory_space<vmem>>, vector<256x1024xf32>
      tpu.vector_store %arg7[%swap3A_653, %swap3A_654], %select_n3A_652 {strides = array<i32>} : memref<256x1024xf32, #tpu.memory_space<vmem>>, vector<256x1024xf32>,
      %broadcast_in_dim3A_656 = arith.constant -3.000000e+38 : f32
      %broadcast_in_dim3A_657 = vector.broadcast %broadcast_in_dim3A_656 : f32 to vector<256x107xf32>
      %broadcast_in_dim3A_658 = arith.constant 0.000000e+00 : f32
      %broadcast_in_dim3A_659 = vector.broadcast %broadcast_in_dim3A_658 : f32 to vector<256x107xf32>
      %concatenate3A = tpu.concatenate %broadcast_in_dim3A_95, %broadcast_in_dim3A_121, %broadcast_in_dim3A_148, %broadcast_in_dim3A_175, %broadcast_in_dim3A_202, %broadcast_in_dim3A_229, %broadcast_in_dim3A_256, %broadcast_in_dim3A_283, %broadcast_in_dim3A_310, %broadcast_in_dim3A_337, %broadcast_in_dim3A_364, %broadcast_in_dim3A_391, %broadcast_in_dim3A_418, %broadcast_in_dim3A_445, %broadcast_in_dim3A_472, %broadcast_in_dim3A_499, %broadcast_in_dim3A_526, %broadcast_in_dim3A_553, %broadcast_in_dim3A_580, %broadcast_in_dim3A_607, %broadcast_in_dim3A_634, %broadcast_in_dim3A_657 in 1 : vector<256x1xf32>, vector<256x1xf32>, vector<256x1xf32>, vector<256x1xf32>, vector<256x1xf32>, vector<256x1xf32>, vector<256x1xf32>, vector<256x1xf32>, vector<256x1xf32>, vector<256x1xf32>, vector<256x1xf32>, vector<256x1xf32>, vector<256x1xf32>, vector<256x1xf32>, vector<256x1xf32>, vector<256x1xf32>, vector<256x1xf32>, vector<256x1xf32>, vector<256x1xf32>, vector<256x1xf32>, vector<256x1xf32>, vector<256x107xf32> -> vector<256x128xf32>
      %swap3A_660 = arith.constant 0 : index
      %swap3A_661 = arith.constant 0 : index
      %swap3A_662 = vector.load %arg8[%swap3A_660, %swap3A_661] : memref<256x128xf32, #tpu.memory_space<vmem>>, vector<256x128xf32>
      tpu.vector_store %arg8[%swap3A_660, %swap3A_661], %concatenate3A {strides = array<i32>} : memref<256x128xf32, #tpu.memory_space<vmem>>, vector<256x128xf32>,
      %concatenate3A_663 = tpu.concatenate %broadcast_in_dim3A_109, %broadcast_in_dim3A_136, %broadcast_in_dim3A_163, %broadcast_in_dim3A_190, %broadcast_in_dim3A_217, %broadcast_in_dim3A_244, %broadcast_in_dim3A_271, %broadcast_in_dim3A_298, %broadcast_in_dim3A_325, %broadcast_in_dim3A_352, %broadcast_in_dim3A_379, %broadcast_in_dim3A_406, %broadcast_in_dim3A_433, %broadcast_in_dim3A_460, %broadcast_in_dim3A_487, %broadcast_in_dim3A_514, %broadcast_in_dim3A_541, %broadcast_in_dim3A_568, %broadcast_in_dim3A_595, %broadcast_in_dim3A_622, %broadcast_in_dim3A_649, %broadcast_in_dim3A_659 in 1 : vector<256x1xf32>, vector<256x1xf32>, vector<256x1xf32>, vector<256x1xf32>, vector<256x1xf32>, vector<256x1xf32>, vector<256x1xf32>, vector<256x1xf32>, vector<256x1xf32>, vector<256x1xf32>, vector<256x1xf32>, vector<256x1xf32>, vector<256x1xf32>, vector<256x1xf32>, vector<256x1xf32>, vector<256x1xf32>, vector<256x1xf32>, vector<256x1xf32>, vector<256x1xf32>, vector<256x1xf32>, vector<256x1xf32>, vector<256x107xf32> -> vector<256x128xf32>
      %swap3A_664 = arith.constant 0 : index
      %swap3A_665 = arith.constant 0 : index
      %swap3A_666 = vector.load %arg9[%swap3A_664, %swap3A_665] : memref<256x128xf32, #tpu.memory_space<vmem>>, vector<256x128xf32>
      tpu.vector_store %arg9[%swap3A_664, %swap3A_665], %concatenate3A_663 {strides = array<i32>} : memref<256x128xf32, #tpu.memory_space<vmem>>, vector<256x128xf32>,
    } else {
    }
    %gt3A = arith.constant 0 : i32
    %gt3A_81 = arith.cmpi sgt, %arg0, %gt3A : i32
    %convert_element_type3A_82 = arith.extui %gt3A_81 : i1 to i32
    %cond3A_83 = arith.constant 1073741824 : i32
    %cond3A_84 = arith.constant 0 : i32
    %cond3A_85 = arith.cmpi ne, %convert_element_type3A_82, %cond3A_84 : i32
    scf.if %cond3A_85 {
      %get3A_91 = arith.constant 0 : index
      %get3A_92 = arith.constant 0 : index
      %get3A_93 = vector.load %arg7[%get3A_91, %get3A_92] : memref<256x1024xf32, #tpu.memory_space<vmem>>, vector<256x1024xf32>
      %get3A_94 = arith.constant 0 : index
      %get3A_95 = arith.constant 0 : index
      %get3A_96 = vector.load %arg8[%get3A_94, %get3A_95] : memref<256x128xf32, #tpu.memory_space<vmem>>, vector<256x128xf32>
      %slice3A_97 = vector.extract_strided_slice %get3A_96 {offsets = [0, 0], sizes = [256, 21], strides = [1, 1]} : vector<256x128xf32> to vector<256x21xf32>
      %reduce_min3A = arith.constant dense<0x7F800000> : vector<256xf32>
      %reduce_min3A_98 = vector.multi_reduction <minimumf>, %slice3A_97, %reduce_min3A [1] : vector<256x21xf32> to vector<256xf32>
      %broadcast_in_dim3A_99 = vector.shape_cast %reduce_min3A_98 : vector<256xf32> to vector<256x1xf32>
      %gt3A_100 = vector.broadcast %broadcast_in_dim3A_99 : vector<256x1xf32> to vector<256x1024xf32>
      %gt3A_101 = arith.cmpf ogt, %get3A_93, %gt3A_100 : vector<256x1024xf32>
      %jit3A_102 = arith.constant 1 : i32
      %jit3A_103 = arith.constant 0 : i32
      %broadcast_in_dim3A_104 = vector.broadcast %jit3A_102 : i32 to vector<256x1024xi32>
      %broadcast_in_dim3A_105 = vector.broadcast %jit3A_103 : i32 to vector<256x1024xi32>
      %select_n3A_106 = arith.select %gt3A_101, %broadcast_in_dim3A_104, %broadcast_in_dim3A_105 : vector<256x1024xi1>, vector<256x1024xi32>
      %reduce_sum3A_107 = arith.constant dense<0> : vector<256xi32>
      %reduce_sum3A_108 = vector.multi_reduction <add>, %select_n3A_106, %reduce_sum3A_107 [1] : vector<256x1024xi32> to vector<256xi32>
      %broadcast_in_dim3A_109 = vector.shape_cast %reduce_sum3A_108 : vector<256xi32> to vector<256x1xi32>
      %reduce_max3A = vector.shape_cast %broadcast_in_dim3A_109 : vector<256x1xi32> to vector<1x256x1xi32>
      %reduce_max3A_110 = arith.constant dense<-2147483648> : vector<1xi32>
      %reduce_max3A_111 = vector.multi_reduction <maxsi>, %reduce_max3A, %reduce_max3A_110 [1, 2] : vector<1x256x1xi32> to vector<1xi32>
      %reduce_max3A_112 = vector.shape_cast %reduce_max3A_111 : vector<1xi32> to vector<1x1x1xi32>
      %reduce_max3A_113 = vector.extract %reduce_max3A_112[0, 0, 0] : i32 from vector<1x1x1xi32>
      %while3A = arith.constant 0 : i32
      %while3A_114 = arith.constant 0 : i32
      %while3A_115 = arith.subi %reduce_max3A_113, %while3A_114 : i32
      %while3A_116 = arith.addi %while3A_114, %while3A_115 : i32
      %while3A_117 = arith.constant 1 : i32
      %while3A_118 = arith.divsi %while3A_115, %while3A_117 : i32
      %while3A_119 = arith.muli %while3A_118, %while3A_117 : i32
      %while3A_120 = arith.addi %while3A_114, %while3A_119 : i32
      %while3A_121 = arith.constant 1 : i32
      scf.for %while3A_123 = %while3A_114 to %while3A_120 step %while3A_121  : i32 {
        %get3A_124 = arith.constant 0 : index
        %get3A_125 = arith.constant 0 : index
        %get3A_126 = vector.load %arg7[%get3A_124, %get3A_125] : memref<256x1024xf32, #tpu.memory_space<vmem>>, vector<256x1024xf32>
        %get3A_127 = arith.constant 0 : index
        %get3A_128 = arith.constant 0 : index
        %get3A_129 = vector.load %arg8[%get3A_127, %get3A_128] : memref<256x128xf32, #tpu.memory_space<vmem>>, vector<256x128xf32>
        %get3A_130 = arith.constant 0 : index
        %get3A_131 = arith.constant 0 : index
        %get3A_132 = vector.load %arg9[%get3A_130, %get3A_131] : memref<256x128xf32, #tpu.memory_space<vmem>>, vector<256x128xf32>
        %slice3A_133 = vector.extract_strided_slice %get3A_129 {offsets = [0, 0], sizes = [256, 21], strides = [1, 1]} : vector<256x128xf32> to vector<256x21xf32>
        %reduce_min3A_134 = arith.constant dense<0x7F800000> : vector<256xf32>
        %reduce_min3A_135 = vector.multi_reduction <minimumf>, %slice3A_133, %reduce_min3A_134 [1] : vector<256x21xf32> to vector<256xf32>
        %broadcast_in_dim3A_136 = vector.shape_cast %reduce_min3A_135 : vector<256xf32> to vector<256x1xf32>
        %eq3A_137 = vector.broadcast %broadcast_in_dim3A_136 : vector<256x1xf32> to vector<256x21xf32>
        %eq3A_138 = arith.cmpf oeq, %slice3A_133, %eq3A_137 : vector<256x21xf32>
        %slice3A_139 = vector.extract_strided_slice %iota3A_76 {offsets = [0, 0], sizes = [256, 21], strides = [1, 1]} : vector<256x128xi32> to vector<256x21xi32>
        %broadcast_in_dim3A_140 = vector.broadcast %cond3A_83 : i32 to vector<256x21xi32>
        %select_n3A_141 = arith.select %eq3A_138, %slice3A_139, %broadcast_in_dim3A_140 : vector<256x21xi1>, vector<256x21xi32>
        %reduce_min3A_142 = arith.constant dense<2147483647> : vector<256xi32>
        %reduce_min3A_143 = vector.multi_reduction <minsi>, %select_n3A_141, %reduce_min3A_142 [1] : vector<256x21xi32> to vector<256xi32>
        %broadcast_in_dim3A_144 = vector.shape_cast %reduce_min3A_143 : vector<256xi32> to vector<256x1xi32>
        %reduce_max3A_145 = arith.constant dense<0xFF800000> : vector<256xf32>
        %reduce_max3A_146 = vector.multi_reduction <maximumf>, %get3A_126, %reduce_max3A_145 [1] : vector<256x1024xf32> to vector<256xf32>
        %broadcast_in_dim3A_147 = vector.shape_cast %reduce_max3A_146 : vector<256xf32> to vector<256x1xf32>
        %gt3A_148 = arith.cmpf ogt, %broadcast_in_dim3A_147, %broadcast_in_dim3A_136 : vector<256x1xf32>
        %eq3A_149 = vector.broadcast %broadcast_in_dim3A_147 : vector<256x1xf32> to vector<256x1024xf32>
        %eq3A_150 = arith.cmpf oeq, %get3A_126, %eq3A_149 : vector<256x1024xf32>
        %broadcast_in_dim3A_151 = vector.broadcast %cond3A_83 : i32 to vector<256x1024xi32>
        %select_n3A_152 = arith.select %eq3A_150, %iota3A_75, %broadcast_in_dim3A_151 : vector<256x1024xi1>, vector<256x1024xi32>
        %reduce_min3A_153 = arith.constant dense<2147483647> : vector<256xi32>
        %reduce_min3A_154 = vector.multi_reduction <minsi>, %select_n3A_152, %reduce_min3A_153 [1] : vector<256x1024xi32> to vector<256xi32>
        %broadcast_in_dim3A_155 = vector.shape_cast %reduce_min3A_154 : vector<256xi32> to vector<256x1xi32>
        %eq3A_156 = vector.broadcast %broadcast_in_dim3A_155 : vector<256x1xi32> to vector<256x1024xi32>
        %eq3A_157 = arith.cmpi eq, %iota3A_75, %eq3A_156 : vector<256x1024xi32>
        %jit3A_158 = arith.constant 0.000000e+00 : f32
        %broadcast_in_dim3A_159 = vector.broadcast %jit3A_158 : f32 to vector<256x1024xf32>
        %select_n3A_160 = arith.select %eq3A_157, %get3A_74, %broadcast_in_dim3A_159 : vector<256x1024xi1>, vector<256x1024xf32>
        %reduce_sum3A_161 = arith.constant dense<0.000000e+00> : vector<256xf32>
        %reduce_sum3A_162 = vector.multi_reduction <add>, %select_n3A_160, %reduce_sum3A_161 [1] : vector<256x1024xf32> to vector<256xf32>
        %broadcast_in_dim3A_163 = vector.shape_cast %reduce_sum3A_162 : vector<256xf32> to vector<256x1xf32>
        %eq3A_164 = vector.broadcast %broadcast_in_dim3A_144 : vector<256x1xi32> to vector<256x128xi32>
        %eq3A_165 = arith.cmpi eq, %iota3A_76, %eq3A_164 : vector<256x128xi32>
        %and3A = vector.broadcast %gt3A_148 : vector<256x1xi1> to vector<256x128xi1>
        %and3A_166 = arith.andi %eq3A_165, %and3A : vector<256x128xi1>
        %broadcast_in_dim3A_167 = vector.shape_cast %broadcast_in_dim3A_147 : vector<256x1xf32> to vector<256x1xf32>
        %broadcast_in_dim3A_168 = vector.broadcast %broadcast_in_dim3A_167 : vector<256x1xf32> to vector<256x128xf32>
        %select_n3A_169 = arith.select %and3A_166, %broadcast_in_dim3A_168, %get3A_129 : vector<256x128xi1>, vector<256x128xf32>
        %swap3A_170 = arith.constant 0 : index
        %swap3A_171 = arith.constant 0 : index
        %swap3A_172 = vector.load %arg8[%swap3A_170, %swap3A_171] : memref<256x128xf32, #tpu.memory_space<vmem>>, vector<256x128xf32>
        tpu.vector_store %arg8[%swap3A_170, %swap3A_171], %select_n3A_169 {strides = array<i32>} : memref<256x128xf32, #tpu.memory_space<vmem>>, vector<256x128xf32>,
        %broadcast_in_dim3A_173 = vector.shape_cast %broadcast_in_dim3A_163 : vector<256x1xf32> to vector<256x1xf32>
        %broadcast_in_dim3A_174 = vector.broadcast %broadcast_in_dim3A_173 : vector<256x1xf32> to vector<256x128xf32>
        %select_n3A_175 = arith.select %and3A_166, %broadcast_in_dim3A_174, %get3A_132 : vector<256x128xi1>, vector<256x128xf32>
        %swap3A_176 = arith.constant 0 : index
        %swap3A_177 = arith.constant 0 : index
        %swap3A_178 = vector.load %arg9[%swap3A_176, %swap3A_177] : memref<256x128xf32, #tpu.memory_space<vmem>>, vector<256x128xf32>
        tpu.vector_store %arg9[%swap3A_176, %swap3A_177], %select_n3A_175 {strides = array<i32>} : memref<256x128xf32, #tpu.memory_space<vmem>>, vector<256x128xf32>,
        %eq3A_179 = vector.broadcast %broadcast_in_dim3A_155 : vector<256x1xi32> to vector<256x1024xi32>
        %eq3A_180 = arith.cmpi eq, %iota3A_75, %eq3A_179 : vector<256x1024xi32>
        %and3A_181 = vector.broadcast %gt3A_148 : vector<256x1xi1> to vector<256x1024xi1>
        %and3A_182 = arith.andi %eq3A_180, %and3A_181 : vector<256x1024xi1>
        %jit3A_183 = arith.constant -3.000000e+38 : f32
        %broadcast_in_dim3A_184 = vector.broadcast %jit3A_183 : f32 to vector<256x1024xf32>
        %select_n3A_185 = arith.select %and3A_182, %broadcast_in_dim3A_184, %get3A_126 : vector<256x1024xi1>, vector<256x1024xf32>
        %swap3A_186 = arith.constant 0 : index
        %swap3A_187 = arith.constant 0 : index
        %swap3A_188 = vector.load %arg7[%swap3A_186, %swap3A_187] : memref<256x1024xf32, #tpu.memory_space<vmem>>, vector<256x1024xf32>
        tpu.vector_store %arg7[%swap3A_186, %swap3A_187], %select_n3A_185 {strides = array<i32>} : memref<256x1024xf32, #tpu.memory_space<vmem>>, vector<256x1024xf32>,
      }
      %while3A_122 = arith.constant 1 : i32
      scf.for %while3A_123 = %while3A_120 to %while3A_116 step %while3A_122  : i32 {
        %get3A_124 = arith.constant 0 : index
        %get3A_125 = arith.constant 0 : index
        %get3A_126 = vector.load %arg7[%get3A_124, %get3A_125] : memref<256x1024xf32, #tpu.memory_space<vmem>>, vector<256x1024xf32>
        %get3A_127 = arith.constant 0 : index
        %get3A_128 = arith.constant 0 : index
        %get3A_129 = vector.load %arg8[%get3A_127, %get3A_128] : memref<256x128xf32, #tpu.memory_space<vmem>>, vector<256x128xf32>
        %get3A_130 = arith.constant 0 : index
        %get3A_131 = arith.constant 0 : index
        %get3A_132 = vector.load %arg9[%get3A_130, %get3A_131] : memref<256x128xf32, #tpu.memory_space<vmem>>, vector<256x128xf32>
        %slice3A_133 = vector.extract_strided_slice %get3A_129 {offsets = [0, 0], sizes = [256, 21], strides = [1, 1]} : vector<256x128xf32> to vector<256x21xf32>
        %reduce_min3A_134 = arith.constant dense<0x7F800000> : vector<256xf32>
        %reduce_min3A_135 = vector.multi_reduction <minimumf>, %slice3A_133, %reduce_min3A_134 [1] : vector<256x21xf32> to vector<256xf32>
        %broadcast_in_dim3A_136 = vector.shape_cast %reduce_min3A_135 : vector<256xf32> to vector<256x1xf32>
        %eq3A_137 = vector.broadcast %broadcast_in_dim3A_136 : vector<256x1xf32> to vector<256x21xf32>
        %eq3A_138 = arith.cmpf oeq, %slice3A_133, %eq3A_137 : vector<256x21xf32>
        %slice3A_139 = vector.extract_strided_slice %iota3A_76 {offsets = [0, 0], sizes = [256, 21], strides = [1, 1]} : vector<256x128xi32> to vector<256x21xi32>
        %broadcast_in_dim3A_140 = vector.broadcast %cond3A_83 : i32 to vector<256x21xi32>
        %select_n3A_141 = arith.select %eq3A_138, %slice3A_139, %broadcast_in_dim3A_140 : vector<256x21xi1>, vector<256x21xi32>
        %reduce_min3A_142 = arith.constant dense<2147483647> : vector<256xi32>
        %reduce_min3A_143 = vector.multi_reduction <minsi>, %select_n3A_141, %reduce_min3A_142 [1] : vector<256x21xi32> to vector<256xi32>
        %broadcast_in_dim3A_144 = vector.shape_cast %reduce_min3A_143 : vector<256xi32> to vector<256x1xi32>
        %reduce_max3A_145 = arith.constant dense<0xFF800000> : vector<256xf32>
        %reduce_max3A_146 = vector.multi_reduction <maximumf>, %get3A_126, %reduce_max3A_145 [1] : vector<256x1024xf32> to vector<256xf32>
        %broadcast_in_dim3A_147 = vector.shape_cast %reduce_max3A_146 : vector<256xf32> to vector<256x1xf32>
        %gt3A_148 = arith.cmpf ogt, %broadcast_in_dim3A_147, %broadcast_in_dim3A_136 : vector<256x1xf32>
        %eq3A_149 = vector.broadcast %broadcast_in_dim3A_147 : vector<256x1xf32> to vector<256x1024xf32>
        %eq3A_150 = arith.cmpf oeq, %get3A_126, %eq3A_149 : vector<256x1024xf32>
        %broadcast_in_dim3A_151 = vector.broadcast %cond3A_83 : i32 to vector<256x1024xi32>
        %select_n3A_152 = arith.select %eq3A_150, %iota3A_75, %broadcast_in_dim3A_151 : vector<256x1024xi1>, vector<256x1024xi32>
        %reduce_min3A_153 = arith.constant dense<2147483647> : vector<256xi32>
        %reduce_min3A_154 = vector.multi_reduction <minsi>, %select_n3A_152, %reduce_min3A_153 [1] : vector<256x1024xi32> to vector<256xi32>
        %broadcast_in_dim3A_155 = vector.shape_cast %reduce_min3A_154 : vector<256xi32> to vector<256x1xi32>
        %eq3A_156 = vector.broadcast %broadcast_in_dim3A_155 : vector<256x1xi32> to vector<256x1024xi32>
        %eq3A_157 = arith.cmpi eq, %iota3A_75, %eq3A_156 : vector<256x1024xi32>
        %jit3A_158 = arith.constant 0.000000e+00 : f32
        %broadcast_in_dim3A_159 = vector.broadcast %jit3A_158 : f32 to vector<256x1024xf32>
        %select_n3A_160 = arith.select %eq3A_157, %get3A_74, %broadcast_in_dim3A_159 : vector<256x1024xi1>, vector<256x1024xf32>
        %reduce_sum3A_161 = arith.constant dense<0.000000e+00> : vector<256xf32>
        %reduce_sum3A_162 = vector.multi_reduction <add>, %select_n3A_160, %reduce_sum3A_161 [1] : vector<256x1024xf32> to vector<256xf32>
        %broadcast_in_dim3A_163 = vector.shape_cast %reduce_sum3A_162 : vector<256xf32> to vector<256x1xf32>
        %eq3A_164 = vector.broadcast %broadcast_in_dim3A_144 : vector<256x1xi32> to vector<256x128xi32>
        %eq3A_165 = arith.cmpi eq, %iota3A_76, %eq3A_164 : vector<256x128xi32>
        %and3A = vector.broadcast %gt3A_148 : vector<256x1xi1> to vector<256x128xi1>
        %and3A_166 = arith.andi %eq3A_165, %and3A : vector<256x128xi1>
        %broadcast_in_dim3A_167 = vector.shape_cast %broadcast_in_dim3A_147 : vector<256x1xf32> to vector<256x1xf32>
        %broadcast_in_dim3A_168 = vector.broadcast %broadcast_in_dim3A_167 : vector<256x1xf32> to vector<256x128xf32>
        %select_n3A_169 = arith.select %and3A_166, %broadcast_in_dim3A_168, %get3A_129 : vector<256x128xi1>, vector<256x128xf32>
        %swap3A_170 = arith.constant 0 : index
        %swap3A_171 = arith.constant 0 : index
        %swap3A_172 = vector.load %arg8[%swap3A_170, %swap3A_171] : memref<256x128xf32, #tpu.memory_space<vmem>>, vector<256x128xf32>
        tpu.vector_store %arg8[%swap3A_170, %swap3A_171], %select_n3A_169 {strides = array<i32>} : memref<256x128xf32, #tpu.memory_space<vmem>>, vector<256x128xf32>,
        %broadcast_in_dim3A_173 = vector.shape_cast %broadcast_in_dim3A_163 : vector<256x1xf32> to vector<256x1xf32>
        %broadcast_in_dim3A_174 = vector.broadcast %broadcast_in_dim3A_173 : vector<256x1xf32> to vector<256x128xf32>
        %select_n3A_175 = arith.select %and3A_166, %broadcast_in_dim3A_174, %get3A_132 : vector<256x128xi1>, vector<256x128xf32>
        %swap3A_176 = arith.constant 0 : index
        %swap3A_177 = arith.constant 0 : index
        %swap3A_178 = vector.load %arg9[%swap3A_176, %swap3A_177] : memref<256x128xf32, #tpu.memory_space<vmem>>, vector<256x128xf32>
        tpu.vector_store %arg9[%swap3A_176, %swap3A_177], %select_n3A_175 {strides = array<i32>} : memref<256x128xf32, #tpu.memory_space<vmem>>, vector<256x128xf32>,
        %eq3A_179 = vector.broadcast %broadcast_in_dim3A_155 : vector<256x1xi32> to vector<256x1024xi32>
        %eq3A_180 = arith.cmpi eq, %iota3A_75, %eq3A_179 : vector<256x1024xi32>
        %and3A_181 = vector.broadcast %gt3A_148 : vector<256x1xi1> to vector<256x1024xi1>
        %and3A_182 = arith.andi %eq3A_180, %and3A_181 : vector<256x1024xi1>
        %jit3A_183 = arith.constant -3.000000e+38 : f32
        %broadcast_in_dim3A_184 = vector.broadcast %jit3A_183 : f32 to vector<256x1024xf32>
        %select_n3A_185 = arith.select %and3A_182, %broadcast_in_dim3A_184, %get3A_126 : vector<256x1024xi1>, vector<256x1024xf32>
        %swap3A_186 = arith.constant 0 : index
        %swap3A_187 = arith.constant 0 : index
        %swap3A_188 = vector.load %arg7[%swap3A_186, %swap3A_187] : memref<256x1024xf32, #tpu.memory_space<vmem>>, vector<256x1024xf32>
        tpu.vector_store %arg7[%swap3A_186, %swap3A_187], %select_n3A_185 {strides = array<i32>} : memref<256x1024xf32, #tpu.memory_space<vmem>>, vector<256x1024xf32>,
      }
    } else {
    }
    %eq3A_86 = arith.constant 97 : i32
    %eq3A_87 = arith.cmpi eq, %arg0, %eq3A_86 : i32
    %convert_element_type3A_88 = arith.extui %eq3A_87 : i1 to i32
    %cond3A_89 = arith.constant 0 : i32
    %cond3A_90 = arith.cmpi ne, %convert_element_type3A_88, %cond3A_89 : i32
    scf.if %cond3A_90 {
      %get3A_91 = arith.constant 0 : index
      %get3A_92 = arith.constant 0 : index
      %get3A_93 = vector.load %arg8[%get3A_91, %get3A_92] : memref<256x128xf32, #tpu.memory_space<vmem>>, vector<256x128xf32>
      %slice3A_94 = vector.extract_strided_slice %get3A_93 {offsets = [0, 0], sizes = [256, 21], strides = [1, 1]} : vector<256x128xf32> to vector<256x21xf32>
      %swap3A_95 = arith.constant 0 : index
      %swap3A_96 = arith.constant 0 : index
      %swap3A_97 = vector.load %arg5[%swap3A_95, %swap3A_96] : memref<256x21xf32, #tpu.memory_space<vmem>>, vector<256x21xf32>
      tpu.vector_store %arg5[%swap3A_95, %swap3A_96], %slice3A_94 {strides = array<i32>} : memref<256x21xf32, #tpu.memory_space<vmem>>, vector<256x21xf32>,
      %get3A_98 = arith.constant 0 : index
      %get3A_99 = arith.constant 0 : index
      %get3A_100 = vector.load %arg9[%get3A_98, %get3A_99] : memref<256x128xf32, #tpu.memory_space<vmem>>, vector<256x128xf32>
      %slice3A_101 = vector.extract_strided_slice %get3A_100 {offsets = [0, 0], sizes = [256, 21], strides = [1, 1]} : vector<256x128xf32> to vector<256x21xf32>
      %swap3A_102 = arith.constant 0 : index
      %swap3A_103 = arith.constant 0 : index
      %swap3A_104 = vector.load %arg6[%swap3A_102, %swap3A_103] : memref<256x21xf32, #tpu.memory_space<vmem>>, vector<256x21xf32>
      tpu.vector_store %arg6[%swap3A_102, %swap3A_103], %slice3A_101 {strides = array<i32>} : memref<256x21xf32, #tpu.memory_space<vmem>>, vector<256x21xf32>,
    } else {
    }
    return
  }
  func.func @transform_0(%arg0: i32) -> (i32, i32) {
    %c0_i32 = arith.constant 0 : i32
    %c0_i32_0 = arith.constant 0 : i32
    %c0_i32_1 = arith.constant 0 : i32
    return %c0_i32, %c0_i32_0 : i32, i32
  }
  func.func @transform_1(%arg0: i32) -> (i32, i32) {
    %c0_i32 = arith.constant 0 : i32
    %c0_i32_0 = arith.constant 0 : i32
    %c0_i32_1 = arith.constant 0 : i32
    return %c0_i32, %c0_i32_0 : i32, i32
  }
  func.func @transform_2(%arg0: i32) -> (i32, i32) {
    %c0_i32 = arith.constant 0 : i32
    %c0_i32_0 = arith.constant 0 : i32
    return %c0_i32, %arg0 : i32, i32
  }
  func.func @transform_3(%arg0: i32) -> (i32, i32) {
    %c0_i32 = arith.constant 0 : i32
    %c0_i32_0 = arith.constant 0 : i32
    return %c0_i32, %arg0 : i32, i32
  }
  func.func @transform_4(%arg0: i32) -> (i32, i32) {
    %c0_i32 = arith.constant 0 : i32
    %c0_i32_0 = arith.constant 0 : i32
    %c0_i32_1 = arith.constant 0 : i32
    return %c0_i32, %c0_i32_0 : i32, i32
  }
  func.func @transform_5(%arg0: i32) -> (i32, i32) {
    %c0_i32 = arith.constant 0 : i32
    %c0_i32_0 = arith.constant 0 : i32
    %c0_i32_1 = arith.constant 0 : i32
    return %c0_i32, %c0_i32_0 : i32, i32
  }
}

module attributes {stable_mosaic.version = 14 : i64} {
  func.func @_final_body(%arg0: memref<256x128xf32, #tpu.memory_space<vmem>>, %arg1: memref<256x21xf32, #tpu.memory_space<vmem>>, %arg2: memref<256x21xf32, #tpu.memory_space<vmem>>, %arg3: memref<256x21xf32, #tpu.memory_space<vmem>>, %arg4: memref<256x21xf32, #tpu.memory_space<vmem>>, %arg5: memref<128x1xf32, #tpu.memory_space<vmem>>, %arg6: memref<128x1xf32, #tpu.memory_space<vmem>>, %arg7: memref<8x64xf32, #tpu.memory_space<vmem>>, %arg8: memref<1x64xf32, #tpu.memory_space<vmem>>, %arg9: memref<64x1xf32, #tpu.memory_space<vmem>>, %arg10: memref<64x1xf32, #tpu.memory_space<vmem>>, %arg11: memref<1x4xf32, #tpu.memory_space<vmem>>, %arg12: memref<256x1xf32, #tpu.memory_space<vmem>>, %arg13: memref<1x1xf32, #tpu.memory_space<vmem>>, %arg14: memref<1x1xf32, #tpu.memory_space<vmem>>, %arg15: memref<256x1xf32, #tpu.memory_space<vmem>>) attributes {dimension_semantics = [], scalar_prefetch = 0 : i64, scratch_operands = 0 : i64, tpu.core_type = #tpu.core_type<tc>} {
    %get3A = arith.constant 0 : index
    %get3A_0 = arith.constant 0 : index
    %get3A_1 = vector.load %arg0[%get3A, %get3A_0] : memref<256x128xf32, #tpu.memory_space<vmem>>, vector<256x128xf32>
    %get3A_2 = arith.constant 0 : index
    %get3A_3 = arith.constant 0 : index
    %get3A_4 = vector.load %arg5[%get3A_2, %get3A_3] : memref<128x1xf32, #tpu.memory_space<vmem>>, vector<128x1xf32>
    %dot_general3A = arith.constant dense<0.000000e+00> : vector<256x1xf32>
    %dot_general3A_5 = tpu.matmul %get3A_1, %get3A_4, %dot_general3A {dimension_numbers = #tpu.dot_dimension_numbers<[1], [0], [0], [1], [0, 0, 1, 1], [], []>, transpose_lhs_hint = false} : vector<256x128xf32>, vector<128x1xf32>, vector<256x1xf32> -> vector<256x1xf32>
    %get3A_6 = arith.constant 0 : index
    %get3A_7 = arith.constant 0 : index
    %get3A_8 = vector.load %arg11[%get3A_6, %get3A_7] : memref<1x4xf32, #tpu.memory_space<vmem>>, vector<1x1xf32>
    %get3A_9 = vector.extract %get3A_8[0, 0] : f32 from vector<1x1xf32>
    %add3A = vector.broadcast %get3A_9 : f32 to vector<256x1xf32>
    %add3A_10 = arith.addf %dot_general3A_5, %add3A : vector<256x1xf32>
    %get3A_11 = arith.constant 0 : index
    %get3A_12 = arith.constant 0 : index
    %get3A_13 = vector.load %arg6[%get3A_11, %get3A_12] : memref<128x1xf32, #tpu.memory_space<vmem>>, vector<128x1xf32>
    %dot_general3A_14 = arith.constant dense<0.000000e+00> : vector<256x1xf32>
    %dot_general3A_15 = tpu.matmul %get3A_1, %get3A_13, %dot_general3A_14 {dimension_numbers = #tpu.dot_dimension_numbers<[1], [0], [0], [1], [0, 0, 1, 1], [], []>, transpose_lhs_hint = false} : vector<256x128xf32>, vector<128x1xf32>, vector<256x1xf32> -> vector<256x1xf32>
    %get3A_16 = arith.constant 0 : index
    %get3A_17 = arith.constant 1 : index
    %get3A_18 = vector.load %arg11[%get3A_16, %get3A_17] : memref<1x4xf32, #tpu.memory_space<vmem>>, vector<1x1xf32>
    %get3A_19 = vector.extract %get3A_18[0, 0] : f32 from vector<1x1xf32>
    %add3A_20 = vector.broadcast %get3A_19 : f32 to vector<256x1xf32>
    %add3A_21 = arith.addf %dot_general3A_15, %add3A_20 : vector<256x1xf32>
    %iota3A = tpu.iota {dimensions = array<i32: 1>} : vector<256x21xi32>
    %get3A_22 = arith.constant 0 : index
    %get3A_23 = arith.constant 0 : index
    %get3A_24 = vector.load %arg1[%get3A_22, %get3A_23] : memref<256x21xf32, #tpu.memory_space<vmem>>, vector<256x21xf32>
    %neg3A = arith.constant 0.000000e+00 : f32
    %neg3A_25 = vector.broadcast %neg3A : f32 to vector<256x21xf32>
    %neg3A_26 = arith.subf %neg3A_25, %get3A_24 : vector<256x21xf32>
    %gt3A = arith.constant 0.000000e+00 : f32
    %gt3A_27 = vector.broadcast %gt3A : f32 to vector<256x21xf32>
    %gt3A_28 = arith.cmpf ogt, %neg3A_26, %gt3A_27 : vector<256x21xf32>
    %gt3A_29 = arith.constant 0.000000e+00 : f32
    %gt3A_30 = vector.broadcast %gt3A_29 : f32 to vector<256x21xf32>
    %gt3A_31 = arith.cmpf ogt, %neg3A_26, %gt3A_30 : vector<256x21xf32>
    %jit3A = arith.constant 1.000000e+00 : f32
    %broadcast_in_dim3A = vector.broadcast %jit3A : f32 to vector<256x21xf32>
    %select_n3A = arith.select %gt3A_31, %neg3A_26, %broadcast_in_dim3A : vector<256x21xi1>, vector<256x21xf32>
    %sqrt3A = math.sqrt %select_n3A : vector<256x21xf32>
    %jit3A_32 = arith.constant 0.000000e+00 : f32
    %broadcast_in_dim3A_33 = vector.broadcast %jit3A_32 : f32 to vector<256x21xf32>
    %select_n3A_34 = arith.select %gt3A_28, %sqrt3A, %broadcast_in_dim3A_33 : vector<256x21xi1>, vector<256x21xf32>
    %neg3A_35 = arith.constant 0.000000e+00 : f32
    %neg3A_36 = vector.broadcast %neg3A_35 : f32 to vector<256x21xf32>
    %neg3A_37 = arith.subf %neg3A_36, %select_n3A_34 : vector<256x21xf32>
    %exp3A = math.exp %neg3A_37 : vector<256x21xf32>
    %reduce_max3A = arith.constant dense<0xFF800000> : vector<256xf32>
    %reduce_max3A_38 = vector.multi_reduction <maximumf>, %get3A_24, %reduce_max3A [1] : vector<256x21xf32> to vector<256xf32>
    %broadcast_in_dim3A_39 = vector.shape_cast %reduce_max3A_38 : vector<256xf32> to vector<256x1xf32>
    %eq3A = vector.broadcast %broadcast_in_dim3A_39 : vector<256x1xf32> to vector<256x21xf32>
    %eq3A_40 = arith.cmpf oeq, %get3A_24, %eq3A : vector<256x21xf32>
    %jit3A_41 = arith.constant 1073741824 : i32
    %broadcast_in_dim3A_42 = vector.broadcast %jit3A_41 : i32 to vector<256x21xi32>
    %select_n3A_43 = arith.select %eq3A_40, %iota3A, %broadcast_in_dim3A_42 : vector<256x21xi1>, vector<256x21xi32>
    %reduce_min3A = arith.constant dense<2147483647> : vector<256xi32>
    %reduce_min3A_44 = vector.multi_reduction <minsi>, %select_n3A_43, %reduce_min3A [1] : vector<256x21xi32> to vector<256xi32>
    %broadcast_in_dim3A_45 = vector.shape_cast %reduce_min3A_44 : vector<256xi32> to vector<256x1xi32>
    %eq3A_46 = vector.broadcast %broadcast_in_dim3A_45 : vector<256x1xi32> to vector<256x21xi32>
    %eq3A_47 = arith.cmpi eq, %iota3A, %eq3A_46 : vector<256x21xi32>
    %jit3A_48 = arith.constant 0.000000e+00 : f32
    %jit3A_49 = arith.constant 1.000000e+00 : f32
    %broadcast_in_dim3A_50 = vector.broadcast %jit3A_48 : f32 to vector<256x21xf32>
    %broadcast_in_dim3A_51 = vector.broadcast %jit3A_49 : f32 to vector<256x21xf32>
    %select_n3A_52 = arith.select %eq3A_47, %broadcast_in_dim3A_50, %broadcast_in_dim3A_51 : vector<256x21xi1>, vector<256x21xf32>
    %get3A_53 = arith.constant 0 : index
    %get3A_54 = arith.constant 0 : index
    %get3A_55 = vector.load %arg3[%get3A_53, %get3A_54] : memref<256x21xf32, #tpu.memory_space<vmem>>, vector<256x21xf32>
    %mul3A = arith.mulf %exp3A, %select_n3A_52 : vector<256x21xf32>
    %reduce_sum3A = arith.constant dense<0.000000e+00> : vector<256xf32>
    %reduce_sum3A_56 = vector.multi_reduction <add>, %mul3A, %reduce_sum3A [1] : vector<256x21xf32> to vector<256xf32>
    %broadcast_in_dim3A_57 = vector.shape_cast %reduce_sum3A_56 : vector<256xf32> to vector<256x1xf32>
    %mul3A_58 = arith.mulf %get3A_55, %mul3A : vector<256x21xf32>
    %reduce_sum3A_59 = arith.constant dense<0.000000e+00> : vector<256xf32>
    %reduce_sum3A_60 = vector.multi_reduction <add>, %mul3A_58, %reduce_sum3A_59 [1] : vector<256x21xf32> to vector<256xf32>
    %broadcast_in_dim3A_61 = vector.shape_cast %reduce_sum3A_60 : vector<256xf32> to vector<256x1xf32>
    %div3A = arith.divf %broadcast_in_dim3A_61, %broadcast_in_dim3A_57 : vector<256x1xf32>
    %mul3A_62 = arith.mulf %get3A_55, %select_n3A_52 : vector<256x21xf32>
    %reduce_sum3A_63 = arith.constant dense<0.000000e+00> : vector<256xf32>
    %reduce_sum3A_64 = vector.multi_reduction <add>, %mul3A_62, %reduce_sum3A_63 [1] : vector<256x21xf32> to vector<256xf32>
    %broadcast_in_dim3A_65 = vector.shape_cast %reduce_sum3A_64 : vector<256xf32> to vector<256x1xf32>
    %div3A_66 = arith.constant 2.000000e+01 : f32
    %div3A_67 = vector.broadcast %div3A_66 : f32 to vector<256x1xf32>
    %div3A_68 = arith.divf %broadcast_in_dim3A_65, %div3A_67 : vector<256x1xf32>
    %sub3A = vector.broadcast %div3A_68 : vector<256x1xf32> to vector<256x21xf32>
    %sub3A_69 = arith.subf %get3A_55, %sub3A : vector<256x21xf32>
    %integer_pow3A = arith.mulf %sub3A_69, %sub3A_69 : vector<256x21xf32>
    %mul3A_70 = arith.mulf %select_n3A_52, %integer_pow3A : vector<256x21xf32>
    %reduce_sum3A_71 = arith.constant dense<0.000000e+00> : vector<256xf32>
    %reduce_sum3A_72 = vector.multi_reduction <add>, %mul3A_70, %reduce_sum3A_71 [1] : vector<256x21xf32> to vector<256xf32>
    %broadcast_in_dim3A_73 = vector.shape_cast %reduce_sum3A_72 : vector<256xf32> to vector<256x1xf32>
    %div3A_74 = arith.constant 1.900000e+01 : f32
    %div3A_75 = vector.broadcast %div3A_74 : f32 to vector<256x1xf32>
    %div3A_76 = arith.divf %broadcast_in_dim3A_73, %div3A_75 : vector<256x1xf32>
    %sqrt3A_77 = math.sqrt %div3A_76 : vector<256x1xf32>
    %concatenate3A = tpu.concatenate %div3A, %broadcast_in_dim3A_57, %sqrt3A_77 in 1 : vector<256x1xf32>, vector<256x1xf32>, vector<256x1xf32> -> vector<256x3xf32>
    %get3A_78 = arith.constant 0 : index
    %get3A_79 = arith.constant 0 : index
    %get3A_80 = vector.load %arg2[%get3A_78, %get3A_79] : memref<256x21xf32, #tpu.memory_space<vmem>>, vector<256x21xf32>
    %neg3A_81 = arith.constant 0.000000e+00 : f32
    %neg3A_82 = vector.broadcast %neg3A_81 : f32 to vector<256x21xf32>
    %neg3A_83 = arith.subf %neg3A_82, %get3A_80 : vector<256x21xf32>
    %gt3A_84 = arith.constant 0.000000e+00 : f32
    %gt3A_85 = vector.broadcast %gt3A_84 : f32 to vector<256x21xf32>
    %gt3A_86 = arith.cmpf ogt, %neg3A_83, %gt3A_85 : vector<256x21xf32>
    %gt3A_87 = arith.constant 0.000000e+00 : f32
    %gt3A_88 = vector.broadcast %gt3A_87 : f32 to vector<256x21xf32>
    %gt3A_89 = arith.cmpf ogt, %neg3A_83, %gt3A_88 : vector<256x21xf32>
    %jit3A_90 = arith.constant 1.000000e+00 : f32
    %broadcast_in_dim3A_91 = vector.broadcast %jit3A_90 : f32 to vector<256x21xf32>
    %select_n3A_92 = arith.select %gt3A_89, %neg3A_83, %broadcast_in_dim3A_91 : vector<256x21xi1>, vector<256x21xf32>
    %sqrt3A_93 = math.sqrt %select_n3A_92 : vector<256x21xf32>
    %jit3A_94 = arith.constant 0.000000e+00 : f32
    %broadcast_in_dim3A_95 = vector.broadcast %jit3A_94 : f32 to vector<256x21xf32>
    %select_n3A_96 = arith.select %gt3A_86, %sqrt3A_93, %broadcast_in_dim3A_95 : vector<256x21xi1>, vector<256x21xf32>
    %neg3A_97 = arith.constant 0.000000e+00 : f32
    %neg3A_98 = vector.broadcast %neg3A_97 : f32 to vector<256x21xf32>
    %neg3A_99 = arith.subf %neg3A_98, %select_n3A_96 : vector<256x21xf32>
    %exp3A_100 = math.exp %neg3A_99 : vector<256x21xf32>
    %reduce_max3A_101 = arith.constant dense<0xFF800000> : vector<256xf32>
    %reduce_max3A_102 = vector.multi_reduction <maximumf>, %get3A_80, %reduce_max3A_101 [1] : vector<256x21xf32> to vector<256xf32>
    %broadcast_in_dim3A_103 = vector.shape_cast %reduce_max3A_102 : vector<256xf32> to vector<256x1xf32>
    %eq3A_104 = vector.broadcast %broadcast_in_dim3A_103 : vector<256x1xf32> to vector<256x21xf32>
    %eq3A_105 = arith.cmpf oeq, %get3A_80, %eq3A_104 : vector<256x21xf32>
    %jit3A_106 = arith.constant 1073741824 : i32
    %broadcast_in_dim3A_107 = vector.broadcast %jit3A_106 : i32 to vector<256x21xi32>
    %select_n3A_108 = arith.select %eq3A_105, %iota3A, %broadcast_in_dim3A_107 : vector<256x21xi1>, vector<256x21xi32>
    %reduce_min3A_109 = arith.constant dense<2147483647> : vector<256xi32>
    %reduce_min3A_110 = vector.multi_reduction <minsi>, %select_n3A_108, %reduce_min3A_109 [1] : vector<256x21xi32> to vector<256xi32>
    %broadcast_in_dim3A_111 = vector.shape_cast %reduce_min3A_110 : vector<256xi32> to vector<256x1xi32>
    %eq3A_112 = vector.broadcast %broadcast_in_dim3A_111 : vector<256x1xi32> to vector<256x21xi32>
    %eq3A_113 = arith.cmpi eq, %iota3A, %eq3A_112 : vector<256x21xi32>
    %jit3A_114 = arith.constant 0.000000e+00 : f32
    %jit3A_115 = arith.constant 1.000000e+00 : f32
    %broadcast_in_dim3A_116 = vector.broadcast %jit3A_114 : f32 to vector<256x21xf32>
    %broadcast_in_dim3A_117 = vector.broadcast %jit3A_115 : f32 to vector<256x21xf32>
    %select_n3A_118 = arith.select %eq3A_113, %broadcast_in_dim3A_116, %broadcast_in_dim3A_117 : vector<256x21xi1>, vector<256x21xf32>
    %get3A_119 = arith.constant 0 : index
    %get3A_120 = arith.constant 0 : index
    %get3A_121 = vector.load %arg4[%get3A_119, %get3A_120] : memref<256x21xf32, #tpu.memory_space<vmem>>, vector<256x21xf32>
    %mul3A_122 = arith.mulf %exp3A_100, %select_n3A_118 : vector<256x21xf32>
    %reduce_sum3A_123 = arith.constant dense<0.000000e+00> : vector<256xf32>
    %reduce_sum3A_124 = vector.multi_reduction <add>, %mul3A_122, %reduce_sum3A_123 [1] : vector<256x21xf32> to vector<256xf32>
    %broadcast_in_dim3A_125 = vector.shape_cast %reduce_sum3A_124 : vector<256xf32> to vector<256x1xf32>
    %mul3A_126 = arith.mulf %get3A_121, %mul3A_122 : vector<256x21xf32>
    %reduce_sum3A_127 = arith.constant dense<0.000000e+00> : vector<256xf32>
    %reduce_sum3A_128 = vector.multi_reduction <add>, %mul3A_126, %reduce_sum3A_127 [1] : vector<256x21xf32> to vector<256xf32>
    %broadcast_in_dim3A_129 = vector.shape_cast %reduce_sum3A_128 : vector<256xf32> to vector<256x1xf32>
    %div3A_130 = arith.divf %broadcast_in_dim3A_129, %broadcast_in_dim3A_125 : vector<256x1xf32>
    %mul3A_131 = arith.mulf %get3A_121, %select_n3A_118 : vector<256x21xf32>
    %reduce_sum3A_132 = arith.constant dense<0.000000e+00> : vector<256xf32>
    %reduce_sum3A_133 = vector.multi_reduction <add>, %mul3A_131, %reduce_sum3A_132 [1] : vector<256x21xf32> to vector<256xf32>
    %broadcast_in_dim3A_134 = vector.shape_cast %reduce_sum3A_133 : vector<256xf32> to vector<256x1xf32>
    %div3A_135 = arith.constant 2.000000e+01 : f32
    %div3A_136 = vector.broadcast %div3A_135 : f32 to vector<256x1xf32>
    %div3A_137 = arith.divf %broadcast_in_dim3A_134, %div3A_136 : vector<256x1xf32>
    %sub3A_138 = vector.broadcast %div3A_137 : vector<256x1xf32> to vector<256x21xf32>
    %sub3A_139 = arith.subf %get3A_121, %sub3A_138 : vector<256x21xf32>
    %integer_pow3A_140 = arith.mulf %sub3A_139, %sub3A_139 : vector<256x21xf32>
    %mul3A_141 = arith.mulf %select_n3A_118, %integer_pow3A_140 : vector<256x21xf32>
    %reduce_sum3A_142 = arith.constant dense<0.000000e+00> : vector<256xf32>
    %reduce_sum3A_143 = vector.multi_reduction <add>, %mul3A_141, %reduce_sum3A_142 [1] : vector<256x21xf32> to vector<256xf32>
    %broadcast_in_dim3A_144 = vector.shape_cast %reduce_sum3A_143 : vector<256xf32> to vector<256x1xf32>
    %div3A_145 = arith.constant 1.900000e+01 : f32
    %div3A_146 = vector.broadcast %div3A_145 : f32 to vector<256x1xf32>
    %div3A_147 = arith.divf %broadcast_in_dim3A_144, %div3A_146 : vector<256x1xf32>
    %sqrt3A_148 = math.sqrt %div3A_147 : vector<256x1xf32>
    %concatenate3A_149 = tpu.concatenate %div3A_130, %broadcast_in_dim3A_125, %sqrt3A_148 in 1 : vector<256x1xf32>, vector<256x1xf32>, vector<256x1xf32> -> vector<256x3xf32>
    %concatenate3A_150 = tpu.concatenate %concatenate3A, %concatenate3A_149, %add3A_10, %add3A_21 in 1 : vector<256x3xf32>, vector<256x3xf32>, vector<256x1xf32>, vector<256x1xf32> -> vector<256x8xf32>
    %get3A_151 = arith.constant 0 : index
    %get3A_152 = arith.constant 0 : index
    %get3A_153 = vector.load %arg7[%get3A_151, %get3A_152] : memref<8x64xf32, #tpu.memory_space<vmem>>, vector<8x64xf32>
    %dot_general3A_154 = arith.constant dense<0.000000e+00> : vector<256x64xf32>
    %dot_general3A_155 = tpu.matmul %concatenate3A_150, %get3A_153, %dot_general3A_154 {dimension_numbers = #tpu.dot_dimension_numbers<[1], [0], [0], [1], [0, 0, 1, 1], [], []>, transpose_lhs_hint = false} : vector<256x8xf32>, vector<8x64xf32>, vector<256x64xf32> -> vector<256x64xf32>
    %get3A_156 = arith.constant 0 : index
    %get3A_157 = arith.constant 0 : index
    %get3A_158 = vector.load %arg8[%get3A_156, %get3A_157] : memref<1x64xf32, #tpu.memory_space<vmem>>, vector<1x64xf32>
    %add3A_159 = vector.broadcast %get3A_158 : vector<1x64xf32> to vector<256x64xf32>
    %add3A_160 = arith.addf %dot_general3A_155, %add3A_159 : vector<256x64xf32>
    %max3A = arith.constant 0.000000e+00 : f32
    %max3A_161 = vector.broadcast %max3A : f32 to vector<256x64xf32>
    %max3A_162 = arith.maximumf %add3A_160, %max3A_161 : vector<256x64xf32>
    %get3A_163 = arith.constant 0 : index
    %get3A_164 = arith.constant 0 : index
    %get3A_165 = vector.load %arg9[%get3A_163, %get3A_164] : memref<64x1xf32, #tpu.memory_space<vmem>>, vector<64x1xf32>
    %dot_general3A_166 = arith.constant dense<0.000000e+00> : vector<256x1xf32>
    %dot_general3A_167 = tpu.matmul %max3A_162, %get3A_165, %dot_general3A_166 {dimension_numbers = #tpu.dot_dimension_numbers<[1], [0], [0], [1], [0, 0, 1, 1], [], []>, transpose_lhs_hint = false} : vector<256x64xf32>, vector<64x1xf32>, vector<256x1xf32> -> vector<256x1xf32>
    %get3A_168 = arith.constant 0 : index
    %get3A_169 = arith.constant 2 : index
    %get3A_170 = vector.load %arg11[%get3A_168, %get3A_169] : memref<1x4xf32, #tpu.memory_space<vmem>>, vector<1x1xf32>
    %get3A_171 = vector.extract %get3A_170[0, 0] : f32 from vector<1x1xf32>
    %add3A_172 = vector.broadcast %get3A_171 : f32 to vector<256x1xf32>
    %add3A_173 = arith.addf %dot_general3A_167, %add3A_172 : vector<256x1xf32>
    %get3A_174 = arith.constant 0 : index
    %get3A_175 = arith.constant 0 : index
    %get3A_176 = vector.load %arg10[%get3A_174, %get3A_175] : memref<64x1xf32, #tpu.memory_space<vmem>>, vector<64x1xf32>
    %dot_general3A_177 = arith.constant dense<0.000000e+00> : vector<256x1xf32>
    %dot_general3A_178 = tpu.matmul %max3A_162, %get3A_176, %dot_general3A_177 {dimension_numbers = #tpu.dot_dimension_numbers<[1], [0], [0], [1], [0, 0, 1, 1], [], []>, transpose_lhs_hint = false} : vector<256x64xf32>, vector<64x1xf32>, vector<256x1xf32> -> vector<256x1xf32>
    %get3A_179 = arith.constant 0 : index
    %get3A_180 = arith.constant 3 : index
    %get3A_181 = vector.load %arg11[%get3A_179, %get3A_180] : memref<1x4xf32, #tpu.memory_space<vmem>>, vector<1x1xf32>
    %get3A_182 = vector.extract %get3A_181[0, 0] : f32 from vector<1x1xf32>
    %add3A_183 = vector.broadcast %get3A_182 : f32 to vector<256x1xf32>
    %add3A_184 = arith.addf %dot_general3A_178, %add3A_183 : vector<256x1xf32>
    %get3A_185 = arith.constant 0 : index
    %get3A_186 = arith.constant 0 : index
    %get3A_187 = vector.load %arg12[%get3A_185, %get3A_186] : memref<256x1xf32, #tpu.memory_space<vmem>>, vector<256x1xf32>
    %sub3A_188 = arith.subf %get3A_187, %add3A_10 : vector<256x1xf32>
    %integer_pow3A_189 = arith.mulf %sub3A_188, %sub3A_188 : vector<256x1xf32>
    %exp3A_190 = math.exp %add3A_21 : vector<256x1xf32>
    %div3A_191 = arith.divf %integer_pow3A_189, %exp3A_190 : vector<256x1xf32>
    %add3A_192 = arith.addf %div3A_191, %add3A_21 : vector<256x1xf32>
    %sub3A_193 = arith.subf %get3A_187, %add3A_173 : vector<256x1xf32>
    %integer_pow3A_194 = arith.mulf %sub3A_193, %sub3A_193 : vector<256x1xf32>
    %exp3A_195 = math.exp %add3A_184 : vector<256x1xf32>
    %div3A_196 = arith.divf %integer_pow3A_194, %exp3A_195 : vector<256x1xf32>
    %add3A_197 = arith.addf %div3A_196, %add3A_184 : vector<256x1xf32>
    %reduce_sum3A_198 = arith.constant dense<0.000000e+00> : vector<1xf32>
    %reduce_sum3A_199 = vector.multi_reduction <add>, %add3A_192, %reduce_sum3A_198 [0] : vector<256x1xf32> to vector<1xf32>
    %broadcast_in_dim3A_200 = vector.shape_cast %reduce_sum3A_199 : vector<1xf32> to vector<1x1xf32>
    %div3A_201 = arith.constant 2.560000e+02 : f32
    %div3A_202 = vector.broadcast %div3A_201 : f32 to vector<1x1xf32>
    %div3A_203 = arith.divf %broadcast_in_dim3A_200, %div3A_202 : vector<1x1xf32>
    %swap3A = arith.constant 0 : index
    %swap3A_204 = arith.constant 0 : index
    %swap3A_205 = vector.load %arg13[%swap3A, %swap3A_204] : memref<1x1xf32, #tpu.memory_space<vmem>>, vector<1x1xf32>
    tpu.vector_store %arg13[%swap3A, %swap3A_204], %div3A_203 {strides = array<i32>} : memref<1x1xf32, #tpu.memory_space<vmem>>, vector<1x1xf32>,
    %reduce_sum3A_206 = arith.constant dense<0.000000e+00> : vector<1xf32>
    %reduce_sum3A_207 = vector.multi_reduction <add>, %add3A_197, %reduce_sum3A_206 [0] : vector<256x1xf32> to vector<1xf32>
    %broadcast_in_dim3A_208 = vector.shape_cast %reduce_sum3A_207 : vector<1xf32> to vector<1x1xf32>
    %div3A_209 = arith.constant 2.560000e+02 : f32
    %div3A_210 = vector.broadcast %div3A_209 : f32 to vector<1x1xf32>
    %div3A_211 = arith.divf %broadcast_in_dim3A_208, %div3A_210 : vector<1x1xf32>
    %swap3A_212 = arith.constant 0 : index
    %swap3A_213 = arith.constant 0 : index
    %swap3A_214 = vector.load %arg14[%swap3A_212, %swap3A_213] : memref<1x1xf32, #tpu.memory_space<vmem>>, vector<1x1xf32>
    tpu.vector_store %arg14[%swap3A_212, %swap3A_213], %div3A_211 {strides = array<i32>} : memref<1x1xf32, #tpu.memory_space<vmem>>, vector<1x1xf32>,
    %swap3A_215 = arith.constant 0 : index
    %swap3A_216 = arith.constant 0 : index
    %swap3A_217 = vector.load %arg15[%swap3A_215, %swap3A_216] : memref<256x1xf32, #tpu.memory_space<vmem>>, vector<256x1xf32>
    tpu.vector_store %arg15[%swap3A_215, %swap3A_216], %add3A_173 {strides = array<i32>} : memref<256x1xf32, #tpu.memory_space<vmem>>, vector<256x1xf32>,
    return
  }
}

</mosaic_0001>

<sc_bundles>
// kernel: kernel.7.cloned.1.call-start
scs
__scs_entry_jumppad:
0x0: {  	(pc) =	sbr.rel $0x88, $3  }
0x1: {  	(tag) =	ssettag $0x0;
	lr =	simm.s32 $0x1  }
0x2: {  	[smem:$0x3F7E] =	sst lr;
	_ =	strace $0xD0000000  }
0x3: {  	_ = 	snop  }
0x4: {  	_ = 	snop  }
0x5: {  	_ = 	snop  }
0x6: {  	_ = 	snop  }
0x7: {  	_ = 	snop  }
__scs_overlays_trampoline_lowered:
0x8: {  	[smem:$0x3F8D] =	sst s0  }
0x9: {  	[smem:$0x3F8E] =	sst s1  }
0xa: {  	[smem:$0x3F8F] =	sst s2  }
0xb: {  	[smem:$0x3F90] =	sst s3  }
0xc: {  	[smem:$0x3F91] =	sst s4  }
0xd: {  	[smem:$0x3F92] =	sst s5  }
0xe: {  	[smem:$0x3F93] =	sst s6  }
0xf: {  	[smem:$0x3F94] =	sst s7  }
0x10: {  	[smem:$0x3F95] =	sst s8  }
0x11: {  	[smem:$0x3F96] =	sst s9;
	s0 =	simm.s32 @!p0 $0x0  }
0x12: {  	s1 =	sld [smem:$0x3F7C];
	s0 =	simm.s32 @p0 $0x1  }
0x13: {  	[smem:$0x3F97] =	sst s0;
	s0 =	simm.s32 @!p1 $0x0  }
0x14: {  	s2 =	sld [smem:$0x3F7B];
	s0 =	simm.s32 @p1 $0x1  }
0x15: {  	[smem:$0x3F98] =	sst s0;
	s0 =	simm.s32 @!p2 $0x0  }
0x16: {  	s3 =	sld [smem:$0x3FDB];
	s0 =	simm.s32 @p2 $0x1  }
0x17: {  	s4 =	simm.s32 $0x1BF5;
	[smem:$0x3F9A] =	sst s0  }
0x18: {  	s0 =	sld [smem:$0x3F7D];
	_ =	swait.ge [sflag:s4], $0x0  }
0x19: {  	s7 =	sld [smem:$0x3F7E]  }
0x1a: {  	s8 =	sadd.s32 $0xFFFFE003, lr  }
0x1b: {  	s9 =	sadd.s32 $0xFFFFFEF7, lr;
	s5 =	simm.s32 $0xFFFFFFFF;
	p2 =	slt.u32 s8, $0xFFFFF086  }
0x1c: {  	p1 =	slt.u32 s9, $0xF7A;
	s5 =	simm.s32 @!p2 $0x0  }
0x1d: {  	s5 =	simm.s32 @p1 $0x1;
	p0 =	seq.s32 s7, s2  }
0x1e: {  	s7 =	smul.u32 @!p0 $0xF7A, s2;
	p2 =	seq.s32 @!p0 s5, $0x0  }
0x1f: {  	s9 =	smul.u32 $0xF7A, s1;
	s8 =	simm.s32 @!p0 $0x1BF5;
	p2 =	por !p2, p0  }
0x20: {  	[sflag:s8] =	ssyncset.s32 @!p0 $0xFFFFF086;
	s6 =	sadd.s32 @!p0 s3, s7;
	s7 =	simm.s32 @!p0 $0x108  }
0x21: {  	s3 =	sadd.s32 s3, s9;
	s6 =	sadd.s32 @!p0 $0x88, s6;
	s7 =	simm.s32 @p2 $0x1082  }
0x22: {  	[simem:s7], [sflag:s8] =	dma.local @!p0 [hbm:s6], $0xF7A  }
0x23: {  	s9 =	sor.u32 $0xD0000000, s2;
	s6 =	simm.s32 $0x108;
	_ =	swait.ge @!p0 [sflag:s8], $0x0  }
0x24: {  	s3 =	sadd.s32 $0x88, s3;
	s6 =	simm.s32 @!p1 $0x1082;
	[sflag:s4] =	ssyncset.s32 $0xFFFFF086  }
0x25: {  	[simem:s6], [sflag:s4] =	dma.local [hbm:s3], $0xF7A  }
0x26: {  	[smem:$0x3F7E] =	sst s1;
	(tag) =	ssettag s2;
	_ =	strace s9  }
0x27: {  	s1 =	sld [smem:$0x3F8E]  }
0x28: {  	s2 =	sld [smem:$0x3F8F]  }
0x29: {  	s4 =	sld [smem:$0x3F91]  }
0x2a: {  	p0 =	seq.s32 s5, $0x0;
	s5 =	sld [smem:$0x3F92]  }
0x2b: {  	s6 =	sld [smem:$0x3F93]  }
0x2c: {  	s7 =	sld [smem:$0x3F94]  }
0x2d: {  	s3 =	simm.s32 $0x108;
	s8 =	sld [smem:$0x3F95]  }
0x2e: {  	s3 =	simm.s32 @!p0 $0x1082;
	s9 =	sld [smem:$0x3F96]  }
0x2f: {  	lr =	sadd.s32 s0, s3;
	s0 =	sld [smem:$0x3F8D]  }
0x30: {  	s3 =	sld [smem:$0x3F90]  }
0x31: {  	[smem:$0x3F99] =	sst s10  }
0x32: {  	s10 =	sld [smem:$0x3F97];
	_ =	sdelay $0x3  }
0x33: {  	p0 =	seq.s32 s10, $0x1;
	s10 =	sld [smem:$0x3F99];
	_ =	sdelay $0x3  }
0x34: {  	[smem:$0x3F99] =	sst s10  }
0x35: {  	s10 =	sld [smem:$0x3F98];
	_ =	sdelay $0x3  }
0x36: {  	p1 =	seq.s32 s10, $0x1;
	s10 =	sld [smem:$0x3F99];
	_ =	sdelay $0x3  }
0x37: {  	[smem:$0x3F99] =	sst s10  }
0x38: {  	s10 =	sld [smem:$0x3F9A]  }
0x39: {  	_ = 	snop;
	(pc) =	sbr.ind lr, $3  }
0x3a: {  	_ = 	snop  }
0x3b: {  	_ = 	snop  }
0x3c: {  	p2 =	seq.s32 s10, $0x1;
	s10 =	sld [smem:$0x3F99]  }
0x3d: {  	_ =	shalt  }
0x3e: {  	_ =	shalt  }
0x3f: {  	_ =	shalt  }
0x40: {  	_ =	shalt  }
0x41: {  	_ =	shalt  }
0x42: {  	_ =	shalt  }
0x43: {  	_ =	shalt  }
0x44: {  	_ =	shalt  }
0x45: {  	_ =	shalt  }
0x46: {  	_ =	shalt  }
0x47: {  	_ =	shalt  }
0x48: {  	_ =	shalt  }
0x49: {  	_ =	shalt  }
0x4a: {  	_ =	shalt  }
0x4b: {  	_ =	shalt  }
0x4c: {  	_ =	shalt  }
0x4d: {  	_ =	shalt  }
0x4e: {  	_ =	shalt  }
0x4f: {  	_ =	shalt  }
0x50: {  	_ =	shalt  }
0x51: {  	_ =	shalt  }
0x52: {  	_ =	shalt  }
0x53: {  	_ =	shalt  }
0x54: {  	_ =	shalt  }
0x55: {  	_ =	shalt  }
0x56: {  	_ =	shalt  }
0x57: {  	_ =	shalt  }
0x58: {  	_ =	shalt  }
0x59: {  	_ =	shalt  }
0x5a: {  	_ =	shalt  }
0x5b: {  	_ =	shalt  }
0x5c: {  	_ =	shalt  }
0x5d: {  	_ =	shalt  }
0x5e: {  	_ =	shalt  }
0x5f: {  	_ =	shalt  }
0x60: {  	_ =	shalt  }
0x61: {  	_ =	shalt  }
0x62: {  	_ =	shalt  }
0x63: {  	_ =	shalt  }
0x64: {  	_ =	shalt  }
0x65: {  	_ =	shalt  }
0x66: {  	_ =	shalt  }
0x67: {  	_ =	shalt  }
0x68: {  	_ =	shalt  }
0x69: {  	_ =	shalt  }
0x6a: {  	_ =	shalt  }
0x6b: {  	_ =	shalt  }
0x6c: {  	_ =	shalt  }
0x6d: {  	_ =	shalt  }
0x6e: {  	_ =	shalt  }
0x6f: {  	_ =	shalt  }
0x70: {  	_ =	shalt  }
0x71: {  	_ =	shalt  }
0x72: {  	_ =	shalt  }
0x73: {  	_ =	shalt  }
0x74: {  	_ =	shalt  }
0x75: {  	_ =	shalt  }
0x76: {  	_ =	shalt  }
0x77: {  	_ =	shalt  }
0x78: {  	_ =	shalt  }
0x79: {  	_ =	shalt  }
0x7a: {  	_ =	shalt  }
0x7b: {  	_ =	shalt  }
0x7c: {  	_ =	shalt  }
0x7d: {  	_ =	shalt  }
0x7e: {  	_ =	shalt  }
0x7f: {  	_ =	shalt  }
0x80: {  	_ =	shalt  }
0x81: {  	_ =	shalt  }
0x82: {  	_ =	shalt  }
0x83: {  	_ =	shalt  }
0x84: {  	_ =	shalt  }
0x85: {  	_ =	shalt  }
0x86: {  	_ =	shalt  }
0x87: {  	_ =	shalt  }
.Lfunc_end0:
.L_simem_size_0:
called_computation_lowered:
.L_overlay_start_0:
0x88: {  	s2 =	sld [smem:$0x3FD9]  }
0x89: {  	s3 =	sld [smem:$0x3FFE];
	_ =	sdelay $0x1  }
0x8a: {  	s1 =	srdreg.scid  }
0x8b: {  	s0 =	sand.u32 $0x1, s1  }
0x8c: {  	s14 =	sshll.u32 s0, $0xA;
	s2 =	sadd.s32 s3, s2  }
0x8d: {  	s2 =	sadd.s32 s2, s14  }
0x8e: {  	[smem:$0x3FA5] =	sst s2  }
0x8f: {  	_ = 	snop  }
0x90: {  	s2 =	sld [smem:$0x3FD0];
	_ =	sdelay $0x2  }
0x91: {  	s15 =	simm.s32 $0xA;
	s4 =	simm.s32 $0x10  }
0x92: {  	[smem:s4], [sflag:s15] =	dma.local [hbm:s2], $0x1  }
0x93: {  	_ =	swait.eq [sflag:s15], $0x1  }
0x94: {  	[sflag:s15] =	ssyncset.done $0x0  }
0x95: {  	[sflag:s15] =	ssyncadd.s32 $0xFFFFFFFF  }
0x96: {  	s16 =	sld [smem:$0x12];
	(tm) =	ssettm $0x1  }
0x97: {  	s17 =	sld [smem:$0x3FFB];
	_ =	sdelay $0x3  }
0x98: {  	_ =	strace s17  }
0x99: {  	s3 =	sld [smem:$0x3FFC];
	_ =	sdelay $0x3  }
0x9a: {  	_ =	strace s3  }
0x9b: {  	s3 =	sld [smem:$0x3FFD];
	_ =	sdelay $0x3  }
0x9c: {  	_ =	strace s3  }
0x9d: {  	_ =	strace $0x8FFFFFFF  }
0x9e: {  	s18 =	sld [smem:$0x3FDB];
	_ =	sdelay $0x1  }
0x9f: {  	s19 =	simm.s32 $_scs_section_size  }
0xa0: {  	s5 =	simm.s32 $_size__tile_overlayer_lowered;
	s6 =	simm.s32 $_tile_overlayer_lowered  }
0xa1: {  	s22 =	simm.s32 $0x1BFF;
	s21 =	sshll.u32 s6, $0x1;
	s3 =	sadd.s32 s19, s18  }
0xa2: {  	s7 =	simm.s32 $0x0;
	s20 =	sshll.u32 s5, $0x1;
	s5 =	sadd.s32 s21, s3  }
0xa3: {  	[timem:s7], [sflag:s22] =	dma.local [hbm:s5], s20  }
0xa4: {  	_ =	swait.ge [sflag:s22], s20  }
0xa5: {  	s4 =	ssub.s32 $0x0, s20;
	[sflag:s22] =	ssyncset.done $0x0  }
0xa6: {  	[sflag:s22] =	ssyncadd.s32 s4;
	_ =	sdelay $0x1  }
0xa7: {  	s23 =	simm.s32 $0x1B8B  }
0xa8: {  	_ =	swait.ge [sflag:s23], $0x1  }
0xa9: {  	[sflag:s23] =	ssyncset.done $0x0  }
0xaa: {  	s25 =	simm.s32 $0x1B8E;
	s24 =	sld [smem:$0x3FFE];
	[sflag:s23] =	ssyncadd.s32 $0xFFFFFFFF  }
0xab: {  	s26 =	simm.s32 $execute0_lowered;
	[smem:$0x3FD2] =	sst s25  }
0xac: {  	s5 =	sshll.u32 s26, $0x1;
	_ =	strace $0x80000046;
	[dreg:$0x1] =	wrdreg $0xFFFFFFFF  }
0xad: {  	s28 =	simm.s32 $_size_execute0_lowered;
	s3 =	sadd.s32 s3, s5;
	[dreg:$0x0] =	wrdreg $0x0  }
0xae: {  	s5 =	sshll.u32 s28, $0x1;
	[dreg:$0x2] =	wrdreg s3  }
0xaf: {  	[dreg:$0x3] =	wrdreg s5  }
0xb0: {  	[dreg:$0x4] =	wrdreg $0xC0  }
0xb1: {  	_ =	task [dreg:s7], $0x5FFFF  }
0xb2: {  	[dreg:$0x1] =	wrdreg $0xFFFFFFFF  }
0xb3: {  	[dreg:$0x0] =	wrdreg $0x60  }
0xb4: {  	[dreg:$0x2] =	wrdreg s24  }
0xb5: {  	[dreg:$0x3] =	wrdreg s16  }
0xb6: {  	[dreg:$0x4] =	wrdreg $0x9  }
0xb7: {  	_ =	task.clear_ibuf [dreg:s7], $0x5FFFF;
	_ =	strace $0x90000046  }
0xb8: {  	s29 =	simm.s32 $0x9;
	_ =	strace $0x80000048  }
0xb9: {  	_ =	swait.ge [sflag:s29], $0x1  }
0xba: {  	[sflag:s29] =	ssyncadd.s32 $0xFFFFFFFF  }
0xbb: {  	_ =	strace $0x90000048  }
0xbc: {  	_ =	sfence  }
0xbd: {  	s30 =	sld [smem:$0x0];
	_ =	sdelay $0x2  }
0xbe: {  	s31 =	sshll.u32 s1, $0xD;
	s1 =	sshrl.u32 s1, $0x2  }
0xbf: {  	s3 =	sand.u32 $0x4000, s31;
	s1 =	sadd.s32 s1, s30  }
0xc0: {  	s0 =	sor.u32 s3, s0;
	s1 =	sshll.u32 s1, $0x11  }
0xc1: {  	s0 =	sor.u32 s1, s0  }
0xc2: {  	s0 =	sadd.s32 $0x8F2B, s0  }
0xc3: {  	[sflag:s0] =	ssyncadd.remote.s32 $0x1  }
0xc4: {  	_ =	sfence.sel $0xFFFF  }
0xc5: {  	[dreg:$0x0] =	wrdreg $0xFFFFFFFF;
	(pc) =	sbr.abs _section_cstart, $3  }
0xc6: {  	[dreg:$0x1] =	wrdreg $0xFFFFFFFF  }
0xc7: {  	_ =	task.clear_ibuf [dreg:s7], $0x2FFFF;
	_ =	strace $0x9FFFFFFF  }
0xc8: {  	(tm) =	ssettm $0x7FFFFFFF  }
0xc9: {  	_ =	shalt  }
tec
execute0_lowered:
.L_overlay_start_1:
0x0: {  	(tag) =	ssettag $0x1  }
0x1: {  	s1 =	srdreg.scid  }
0x2: {  	s11 =	rddreg [dreg:$0x0];
	s0 =	stileid.u32;
	s12 =	sand.u32 $0x1, s1  }
0x3: {  	s3 =	rddreg [dreg:$0x1];
	s4 =	sshll.u32 s0, $0x4;
	s5 =	sshll.u32 s12, $0x3  }
0x4: {  	s2 =	simm.s32 $0x0;
	s1 =	rddreg [dreg:$0x2];
	s9 =	sor.u32 s5, s4  }
0x5: {  	[smem:$0x7FF] =	sst s2;
	s10 =	sshrl.u32 s9, $0x3  }
0x6: {  	_ =	strace $0x80000047;
	s4 =	sadd.s32 s3, s10;
	s3 =	simm.s32 $0x2  }
0x7: {  	[tilespmem:s2], [sflag:$0x2] =	stream.linear.gather [hbm4b:s4+s2], $0x8, $0x38;
	[tilespmem:$0x480] =	vst v63  }
0x8: {  	_ =	swait.ge [sflag:s3], $0x8  }
0x9: {  	s6 =	simm.s32 $0x8;
	s7 =	simm.s32 $0x80;
	[sflag:s3] =	ssyncset.done $0x0  }
0xa: {  	s8 =	simm.s32 $0x1;
	s5 =	sadd.s32 $0x18E800, s11;
	[sflag:s3] =	ssyncadd.s32 $0xFFFFFFF8  }
0xb: {  	[tilespmem:s7], [sflag:$0x1] =	stream.indirect.gather [hbm4b:s5+s6], $0x80, s2, s6, $0xb8;
	[tilespmem:$0x480] =	vst v63  }
0xc: {  	s9 =	sshll.u32 s9, $0x4;
	_ =	swait.ge [sflag:s8], $0x400  }
0xd: {  	s13 =	sadd.s32 s9, s11;
	[sflag:s8] =	ssyncset.done $0x0  }
0xe: {  	s9 =	sadd.s32 $0x8000, s13;
	[sflag:s8] =	ssyncadd.s32 $0xFFFFFC00  }
0xf: {  	[hbm4b:s9+s2] =	stream.linear.scatter [tilespmem:s7], [sflag:$0x2], $0x400, $0x38;
	[tilespmem:$0x480] =	vst v63  }
0x10: {  	_ =	swait.ge [sflag:s3], $0x400  }
0x11: {  	s10 =	sadd.s32 s10, s11;
	[sflag:s3] =	ssyncset.done $0x0  }
0x12: {  	s12 =	ssub.s32 $0x2, s12;
	s10 =	sadd.s32 $0x7E00, s10;
	[sflag:s3] =	ssyncadd.s32 $0xFFFFFC00  }
0x13: {  	[tilespmem:s2], [sflag:$0x2] =	stream.linear.gather [hbm4b:s10+s2], $0x8, $0x38;
	[tilespmem:$0x480] =	vst v63  }
0x14: {  	s14 =	sshrl.u32 s12, $0x1;
	_ =	swait.ge [sflag:s3], $0x8  }
0x15: {  	s14 =	ssub.s32 s12, s14;
	[sflag:s3] =	ssyncset.done $0x0  }
0x16: {  	s11 =	sadd.s32 $0x1F0400, s11;
	s31 =	smax.u32 s14, $0x1;
	[sflag:s3] =	ssyncadd.s32 $0xFFFFFFF8  }
0x17: {  	[tilespmem:s7], [sflag:$0x1] =	stream.indirect.gather [hbm4b:s11+s6], $0x80, s2, s6, $0xb8;
	[tilespmem:$0x480] =	vst v63  }
0x18: {  	p0 =	sne.s32 s31, $0x1;
	_ =	swait.ge [sflag:s8], $0x400  }
.Ltmp0:
0x19: {  	[sflag:s8] =	ssyncset.done $0x0;
	(pc) =	sbr.rel @!p0 .LBB2_2-.Ltmp0, $4  }
0x1a: {  	s12 =	sadd.s32 $0x9000, s13;
	[sflag:s8] =	ssyncadd.s32 $0xFFFFFC00  }
0x1b: {  	[hbm4b:s12+s2] =	stream.linear.scatter [tilespmem:s7], [sflag:$0x2], $0x400, $0x38;
	[tilespmem:$0x480] =	vst v63  }
0x1c: {  	_ =	swait.ge [sflag:s3], $0x400  }
0x1d: {  	s13 =	sadd.s32 $0xFFFFFFFF, s31;
	[sflag:s3] =	ssyncset.done $0x0  }
.LBB2_1:
0x1e: {  	p0 =	sne.s32 s13, $0x1;
	s13 =	sadd.s32 $0xFFFFFFFF, s13;
	[sflag:s3] =	ssyncadd.s32 $0xFFFFFC00  }
0x1f: {  	[tilespmem:s2], [sflag:$0x2] =	stream.linear.gather [hbm4b:s4+s2], $0x8, $0x38;
	[tilespmem:$0x480] =	vst v63  }
0x20: {  	_ =	swait.ge [sflag:s3], $0x8  }
0x21: {  	[sflag:s3] =	ssyncset.done $0x0  }
0x22: {  	[sflag:s3] =	ssyncadd.s32 $0xFFFFFFF8  }
0x23: {  	[tilespmem:s7], [sflag:$0x1] =	stream.indirect.gather [hbm4b:s5+s6], $0x80, s2, s6, $0xb8;
	[tilespmem:$0x480] =	vst v63  }
0x24: {  	_ =	swait.ge [sflag:s8], $0x400  }
0x25: {  	[sflag:s8] =	ssyncset.done $0x0  }
0x26: {  	[sflag:s8] =	ssyncadd.s32 $0xFFFFFC00  }
0x27: {  	[hbm4b:s9+s2] =	stream.linear.scatter [tilespmem:s7], [sflag:$0x2], $0x400, $0x38;
	[tilespmem:$0x480] =	vst v63  }
0x28: {  	_ =	swait.ge [sflag:s3], $0x400  }
0x29: {  	[sflag:s3] =	ssyncset.done $0x0  }
0x2a: {  	[sflag:s3] =	ssyncadd.s32 $0xFFFFFC00  }
0x2b: {  	[tilespmem:s2], [sflag:$0x2] =	stream.linear.gather [hbm4b:s10+s2], $0x8, $0x38;
	[tilespmem:$0x480] =	vst v63  }
0x2c: {  	_ =	swait.ge [sflag:s3], $0x8  }
0x2d: {  	[sflag:s3] =	ssyncset.done $0x0  }
0x2e: {  	[sflag:s3] =	ssyncadd.s32 $0xFFFFFFF8  }
0x2f: {  	[tilespmem:s7], [sflag:$0x1] =	stream.indirect.gather [hbm4b:s11+s6], $0x80, s2, s6, $0xb8;
	[tilespmem:$0x480] =	vst v63  }
0x30: {  	_ =	swait.ge [sflag:s8], $0x400  }
.Ltmp1:
0x31: {  	[sflag:s8] =	ssyncset.done $0x0;
	(pc) =	sbr.rel @p0 .LBB2_1-.Ltmp1, $4  }
0x32: {  	[sflag:s8] =	ssyncadd.s32 $0xFFFFFC00  }
0x33: {  	[hbm4b:s12+s2] =	stream.linear.scatter [tilespmem:s7], [sflag:$0x2], $0x400, $0x38;
	[tilespmem:$0x480] =	vst v63  }
0x34: {  	_ =	swait.ge [sflag:s3], $0x400  }
0x35: {  	[sflag:s3] =	ssyncset.done $0x0  }
.LBB2_2:
0x36: {  	[sflag:s3] =	ssyncadd.s32 $0xFFFFFC00  }
0x37: {  	_ =	sfence.sel $0x180000  }
0x38: {  	[bflag:$0x0] =	sbarrier.arrive $0xFFFF  }
0x39: {  	p0 =	sne.s32 s0, $0x0;
	_ =	strace $0x90000047  }
0x3a: {  	s0 =	sadd.s32 @!p0 $0x100000, s1;
	[bflag:$0x2] =	sbarrier.arrive $0xFFFF  }
0x3b: {  	[sflag:s0] =	ssyncadd.tile.s32 @!p0 $0x1;
	_ =	shalt  }
.Lfunc_end2:
_tile_overlayer_lowered:
.L_overlay_start_2:
0x3c: {  	(tag) =	ssettag $0x2  }
0x3d: {  	s0 =	rddreg [dreg:$0x0];
	s2 =	stileid.u32  }
0x3e: {  	s1 =	rddreg [dreg:$0x1];
	p0 =	sne.s32 s2, $0x0  }
0x3f: {  	s3 =	rddreg [dreg:$0x2];
	[bflag:$0x3] =	sbarrier.arrive $0xFFFF;
	s2 =	simm.s32 @!p0 $0x1C02  }
0x40: {  	[timem:s3], [sflag:s2] =	dma.local @!p0 [hbm:s0], s1  }
0x41: {  	s0 =	simm.s32 @!p0 $0x2  }
0x42: {  	_ =	swait.ge @!p0 [sflag:s0], s1  }
0x43: {  	s1 =	ssub.s32 @!p0 $0x0, s1;
	[sflag:s0] =	ssyncset.done @!p0 $0x0  }
0x44: {  	[sflag:s0] =	ssyncadd.s32 @!p0 s1  }
0x45: {  	[bflag:$0x3] =	sbarrier.arrive $0xFFFF  }
0x46: {  	_ =	shalt  }

</sc_bundles>
